<compile_context>
chip_gen: v7x
topology: tpu7x:2x2x1
jax: 0.10.2.dev20260603
libtpu: 0.0.44.dev20260713+nightly
codegen_flags: <defaults>
</compile_context>

<pallas_src>
import functools

import jax
import jax.numpy as jnp
from jax import lax
from jax.experimental import pallas as pl
from jax.experimental.pallas import tpu as pltpu
from jax.experimental.pallas import tpu_sc as plsc

R, C = 16384, 128
NC, NS, L = 2, 16, 16
NW = NC * NS
SCROWS = 4096
RPW = SCROWS // NW
CG = C // L
CH = 64
NCH = RPW // CH
RB = 2048
BR = 4096

_mesh = plsc.VectorSubcoreMesh(core_axis_name="c", subcore_axis_name="s")


@functools.partial(
    pl.kernel,
    mesh=_mesh,
    out_type=jax.ShapeDtypeStruct((NW, C), jnp.float32),
    scratch_types=[
        pltpu.VMEM((CH, C), jnp.float32),
        pltpu.VMEM((CH, C), jnp.float32),
        pltpu.VMEM((1, C), jnp.float32),
        pltpu.SemaphoreType.DMA,
        pltpu.SemaphoreType.DMA,
    ],
)
def _sc_partial_sums(x_hbm, out_hbm, xb0, xb1, accbuf, sem0, sem1):
    wid = lax.axis_index("s") * NC + lax.axis_index("c")
    base = wid * RPW
    bufs = (xb0, xb1)
    sems = (sem0, sem1)

    cps = [
        pltpu.async_copy(x_hbm.at[pl.ds(base + ch * CH, CH)], bufs[ch], sems[ch])
        for ch in range(NCH)
    ]
    accs = tuple(jnp.zeros((L,), jnp.float32) for _ in range(CG))
    for ch in range(NCH):
        cps[ch].wait()
        buf = bufs[ch]

        def body(r, accs, buf=buf):
            return tuple(accs[g] + buf[r, pl.ds(g * L, L)] for g in range(CG))

        accs = lax.fori_loop(0, CH, body, accs, unroll=4)
    for g in range(CG):
        accbuf[0, pl.ds(g * L, L)] = accs[g]
    pltpu.sync_copy(accbuf, out_hbm.at[pl.ds(wid, 1)])


def _tc_reduce_body(x_ref, o_ref):
    part = jnp.sum(x_ref[...], axis=0, keepdims=True)

    @pl.when(pl.program_id(0) == 0)
    def _():
        o_ref[...] = part

    @pl.when(pl.program_id(0) > 0)
    def _():
        o_ref[...] += part


def _tc_partial_sums(x):
    return pl.pallas_call(
        _tc_reduce_body,
        grid=((R - SCROWS) // RB,),
        in_specs=[pl.BlockSpec((RB, C), lambda i: (SCROWS // RB + i, 0))],
        out_specs=pl.BlockSpec((1, C), lambda i: (0, 0)),
        out_shape=jax.ShapeDtypeStruct((1, C), jnp.float32),
    )(x)


def _tc_choice_body(ps_ref, pt_ref, o_ref, v_ref):
    @pl.when(pl.program_id(0) == 0)
    def _():
        s = jnp.sum(ps_ref[...], axis=0, keepdims=True) + pt_ref[...]
        iota = lax.broadcasted_iota(jnp.int32, (1, C), 1)
        cand = jnp.where(s >= 0.0, iota, jnp.int32(C))
        idx = jnp.min(cand)
        idx = jnp.where(idx >= C, jnp.int32(0), idx)
        v_ref[...] = jnp.where(iota == idx, 1.0, -1.0).astype(jnp.float32)

    o_ref[...] = jnp.broadcast_to(v_ref[...], (BR, C))


def _tc_broadcast_choice(ps_sc, ps_tc):
    return pl.pallas_call(
        _tc_choice_body,
        grid=(R // BR,),
        in_specs=[
            pl.BlockSpec((NW, C), lambda i: (0, 0)),
            pl.BlockSpec((1, C), lambda i: (0, 0)),
        ],
        out_specs=pl.BlockSpec((BR, C), lambda i: (i, 0)),
        out_shape=jax.ShapeDtypeStruct((R, C), jnp.float32),
        scratch_shapes=[pltpu.VMEM((1, C), jnp.float32)],
    )(ps_sc, ps_tc)


def kernel(x):
    ps_tc = _tc_partial_sums(x)
    ps_sc = _sc_partial_sums(x)
    return _tc_broadcast_choice(ps_sc, ps_tc)

# --- scband reference (transcript-rebuilt; emitter-appended) ---
"""Pipeline reference for scband-random-chooser-16776142258909 (READ-ONLY COPY).

The authoritative reference and input builder live on the scoring server;
editing this copy changes nothing except your own understanding.
"""

import jax, jax.numpy as jnp
import numpy as np

SCALE = 1.0

def setup_inputs(seed: int = 0) -> dict:
    key = jax.random.key(seed)
    x = jax.random.normal(key, (16384, 128), dtype=jnp.float32)
    return {"x": x}

def reference(x):
    # training-mode branch of randomChooser, made deterministic:
    # torch: chosenIndex = random.choice((sum(x,0) >= 0).nonzero()); here we take the FIRST
    # qualifying column index (fallback 0 if none), matching the try/except fallback.
    s = jnp.sum(jax.lax.stop_gradient(x), axis=0)
    mask = s >= 0
    cand = jnp.nonzero(mask, size=x.shape[1], fill_value=-1)[0]
    idx = jnp.where(cand[0] >= 0, cand[0], 0)
    out = jnp.full(x.shape, -1.0 * SCALE, dtype=x.dtype)
    out = out.at[jnp.arange(x.shape[0]), idx].set(jnp.asarray(SCALE, dtype=x.dtype))
    return out

if __name__ == "__main__":
    import jax
    _d = setup_inputs()
    print(jax.jit(kernel)(*tuple(_d.values())))

</pallas_src>

<mosaic_0001>
#map = affine_map<(d0, d1) -> (0, 0)>
module attributes {stable_mosaic.version = 14 : i64} {
  func.func @_sc_partial_sums(%arg0: i32, %arg1: i32, %arg2: memref<16384x128xf32, #tpu.memory_space<hbm>>, %arg3: memref<32x128xf32, #tpu.memory_space<hbm>>, %arg4: memref<64x128xf32, #tpu.memory_space<vmem>>, %arg5: memref<64x128xf32, #tpu.memory_space<vmem>>, %arg6: memref<1x128xf32, #tpu.memory_space<vmem>>, %arg7: memref<!tpu.dma_semaphore, #tpu.memory_space<semaphore_mem>>, %arg8: memref<!tpu.dma_semaphore, #tpu.memory_space<semaphore_mem>>) attributes {dimension_semantics = [#tpu.dimension_semantics<core_parallel>, #tpu.dimension_semantics<subcore_parallel>], iteration_bounds = array<i64: 2, 16>, scalar_prefetch = 0 : i64, scratch_operands = 5 : i64, tpu.core_type = #tpu.core_type<sc_vector_subcore>, window_params = [{transform_indices = #map}, {transform_indices = #map}]} {
    %mul3A = arith.constant 2 : i32
    %mul3A_0 = arith.muli %arg1, %mul3A : i32
    %add3A = arith.addi %mul3A_0, %arg0 : i32
    %mul3A_1 = arith.constant 128 : i32
    %mul3A_2 = arith.muli %add3A, %mul3A_1 : i32
    %add3A_3 = arith.constant 0 : i32
    %add3A_4 = arith.addi %mul3A_2, %add3A_3 : i32
    %dma_start3A = arith.constant 0 : i32
    %dma_start3A_5 = tpu.memref_slice %arg2[%add3A_4, %dma_start3A] : memref<16384x128xf32, #tpu.memory_space<hbm>> -> memref<64x128xf32, #tpu.memory_space<hbm>>
    %dma_start3A_6 = arith.constant 0 : i32
    %dma_start3A_7 = tpu.memref_slice %arg2[%add3A_4, %dma_start3A_6] : memref<16384x128xf32, #tpu.memory_space<hbm>> -> memref<64x128xf32, #tpu.memory_space<hbm>>
    tpu.enqueue_dma source(%dma_start3A_7 : memref<64x128xf32, #tpu.memory_space<hbm>>) target(%arg4 : memref<64x128xf32, #tpu.memory_space<vmem>>) target_semaphore(%arg7 : memref<!tpu.dma_semaphore, #tpu.memory_space<semaphore_mem>>)
    %add3A_8 = arith.constant 64 : i32
    %add3A_9 = arith.addi %mul3A_2, %add3A_8 : i32
    %dma_start3A_10 = arith.constant 0 : i32
    %dma_start3A_11 = tpu.memref_slice %arg2[%add3A_9, %dma_start3A_10] : memref<16384x128xf32, #tpu.memory_space<hbm>> -> memref<64x128xf32, #tpu.memory_space<hbm>>
    %dma_start3A_12 = arith.constant 0 : i32
    %dma_start3A_13 = tpu.memref_slice %arg2[%add3A_9, %dma_start3A_12] : memref<16384x128xf32, #tpu.memory_space<hbm>> -> memref<64x128xf32, #tpu.memory_space<hbm>>
    tpu.enqueue_dma source(%dma_start3A_13 : memref<64x128xf32, #tpu.memory_space<hbm>>) target(%arg5 : memref<64x128xf32, #tpu.memory_space<vmem>>) target_semaphore(%arg8 : memref<!tpu.dma_semaphore, #tpu.memory_space<semaphore_mem>>)
    %broadcast_in_dim3A = arith.constant 0.000000e+00 : f32
    %broadcast_in_dim3A_14 = vector.broadcast %broadcast_in_dim3A : f32 to vector<16xf32>
    %broadcast_in_dim3A_15 = arith.constant 0.000000e+00 : f32
    %broadcast_in_dim3A_16 = vector.broadcast %broadcast_in_dim3A_15 : f32 to vector<16xf32>
    %broadcast_in_dim3A_17 = arith.constant 0.000000e+00 : f32
    %broadcast_in_dim3A_18 = vector.broadcast %broadcast_in_dim3A_17 : f32 to vector<16xf32>
    %broadcast_in_dim3A_19 = arith.constant 0.000000e+00 : f32
    %broadcast_in_dim3A_20 = vector.broadcast %broadcast_in_dim3A_19 : f32 to vector<16xf32>
    %broadcast_in_dim3A_21 = arith.constant 0.000000e+00 : f32
    %broadcast_in_dim3A_22 = vector.broadcast %broadcast_in_dim3A_21 : f32 to vector<16xf32>
    %broadcast_in_dim3A_23 = arith.constant 0.000000e+00 : f32
    %broadcast_in_dim3A_24 = vector.broadcast %broadcast_in_dim3A_23 : f32 to vector<16xf32>
    %broadcast_in_dim3A_25 = arith.constant 0.000000e+00 : f32
    %broadcast_in_dim3A_26 = vector.broadcast %broadcast_in_dim3A_25 : f32 to vector<16xf32>
    %broadcast_in_dim3A_27 = arith.constant 0.000000e+00 : f32
    %broadcast_in_dim3A_28 = vector.broadcast %broadcast_in_dim3A_27 : f32 to vector<16xf32>
    %dma_wait3A = arith.constant 0 : i32
    %dma_wait3A_29 = tpu.memref_slice %arg2[%add3A_4, %dma_wait3A] : memref<16384x128xf32, #tpu.memory_space<hbm>> -> memref<64x128xf32, #tpu.memory_space<hbm>>
    %dma_wait3A_30 = arith.constant 0 : i32
    %dma_wait3A_31 = tpu.memref_slice %arg2[%add3A_4, %dma_wait3A_30] : memref<16384x128xf32, #tpu.memory_space<hbm>> -> memref<64x128xf32, #tpu.memory_space<hbm>>
    tpu.wait_dma2 semaphore(%arg7 : memref<!tpu.dma_semaphore, #tpu.memory_space<semaphore_mem>>) src(%dma_wait3A_31 : memref<64x128xf32, #tpu.memory_space<hbm>>) dst(%arg4 : memref<64x128xf32, #tpu.memory_space<vmem>>)
    %scan3A = arith.constant 0 : i32
    %scan3A_32 = arith.constant 64 : i32
    %scan3A_33 = arith.addi %scan3A, %scan3A_32 : i32
    %scan3A_34 = arith.constant 4 : i32
    %scan3A_35:8 = scf.for %scan3A_94 = %scan3A to %scan3A_33 step %scan3A_34 iter_args(%scan3A_95 = %broadcast_in_dim3A_14, %scan3A_96 = %broadcast_in_dim3A_16, %scan3A_97 = %broadcast_in_dim3A_18, %scan3A_98 = %broadcast_in_dim3A_20, %scan3A_99 = %broadcast_in_dim3A_22, %scan3A_100 = %broadcast_in_dim3A_24, %scan3A_101 = %broadcast_in_dim3A_26, %scan3A_102 = %broadcast_in_dim3A_28) -> (vector<16xf32>, vector<16xf32>, vector<16xf32>, vector<16xf32>, vector<16xf32>, vector<16xf32>, vector<16xf32>, vector<16xf32>)  : i32 {
      %get3A = arith.index_cast %scan3A_94 : i32 to index
      %get3A_103 = arith.constant 0 : index
      %get3A_104 = tpu.vector_load %arg4[%get3A, %get3A_103] {strides = array<i32>} : memref<64x128xf32, #tpu.memory_space<vmem>>, vector<1x16xf32>,
      %get3A_105 = vector.shape_cast %get3A_104 : vector<1x16xf32> to vector<16xf32>
      %add3A_106 = arith.addf %scan3A_95, %get3A_105 : vector<16xf32>
      %get3A_107 = arith.index_cast %scan3A_94 : i32 to index
      %get3A_108 = arith.constant 16 : index
      %get3A_109 = tpu.vector_load %arg4[%get3A_107, %get3A_108] {strides = array<i32>} : memref<64x128xf32, #tpu.memory_space<vmem>>, vector<1x16xf32>,
      %get3A_110 = vector.shape_cast %get3A_109 : vector<1x16xf32> to vector<16xf32>
      %add3A_111 = arith.addf %scan3A_96, %get3A_110 : vector<16xf32>
      %get3A_112 = arith.index_cast %scan3A_94 : i32 to index
      %get3A_113 = arith.constant 32 : index
      %get3A_114 = tpu.vector_load %arg4[%get3A_112, %get3A_113] {strides = array<i32>} : memref<64x128xf32, #tpu.memory_space<vmem>>, vector<1x16xf32>,
      %get3A_115 = vector.shape_cast %get3A_114 : vector<1x16xf32> to vector<16xf32>
      %add3A_116 = arith.addf %scan3A_97, %get3A_115 : vector<16xf32>
      %get3A_117 = arith.index_cast %scan3A_94 : i32 to index
      %get3A_118 = arith.constant 48 : index
      %get3A_119 = tpu.vector_load %arg4[%get3A_117, %get3A_118] {strides = array<i32>} : memref<64x128xf32, #tpu.memory_space<vmem>>, vector<1x16xf32>,
      %get3A_120 = vector.shape_cast %get3A_119 : vector<1x16xf32> to vector<16xf32>
      %add3A_121 = arith.addf %scan3A_98, %get3A_120 : vector<16xf32>
      %get3A_122 = arith.index_cast %scan3A_94 : i32 to index
      %get3A_123 = arith.constant 64 : index
      %get3A_124 = tpu.vector_load %arg4[%get3A_122, %get3A_123] {strides = array<i32>} : memref<64x128xf32, #tpu.memory_space<vmem>>, vector<1x16xf32>,
      %get3A_125 = vector.shape_cast %get3A_124 : vector<1x16xf32> to vector<16xf32>
      %add3A_126 = arith.addf %scan3A_99, %get3A_125 : vector<16xf32>
      %get3A_127 = arith.index_cast %scan3A_94 : i32 to index
      %get3A_128 = arith.constant 80 : index
      %get3A_129 = tpu.vector_load %arg4[%get3A_127, %get3A_128] {strides = array<i32>} : memref<64x128xf32, #tpu.memory_space<vmem>>, vector<1x16xf32>,
      %get3A_130 = vector.shape_cast %get3A_129 : vector<1x16xf32> to vector<16xf32>
      %add3A_131 = arith.addf %scan3A_100, %get3A_130 : vector<16xf32>
      %get3A_132 = arith.index_cast %scan3A_94 : i32 to index
      %get3A_133 = arith.constant 96 : index
      %get3A_134 = tpu.vector_load %arg4[%get3A_132, %get3A_133] {strides = array<i32>} : memref<64x128xf32, #tpu.memory_space<vmem>>, vector<1x16xf32>,
      %get3A_135 = vector.shape_cast %get3A_134 : vector<1x16xf32> to vector<16xf32>
      %add3A_136 = arith.addf %scan3A_101, %get3A_135 : vector<16xf32>
      %get3A_137 = arith.index_cast %scan3A_94 : i32 to index
      %get3A_138 = arith.constant 112 : index
      %get3A_139 = tpu.vector_load %arg4[%get3A_137, %get3A_138] {strides = array<i32>} : memref<64x128xf32, #tpu.memory_space<vmem>>, vector<1x16xf32>,
      %get3A_140 = vector.shape_cast %get3A_139 : vector<1x16xf32> to vector<16xf32>
      %add3A_141 = arith.addf %scan3A_102, %get3A_140 : vector<16xf32>
      %scan3A_142 = arith.constant 1 : i32
      %scan3A_143 = arith.addi %scan3A_94, %scan3A_142 : i32
      %get3A_144 = arith.index_cast %scan3A_143 : i32 to index
      %get3A_145 = arith.constant 0 : index
      %get3A_146 = tpu.vector_load %arg4[%get3A_144, %get3A_145] {strides = array<i32>} : memref<64x128xf32, #tpu.memory_space<vmem>>, vector<1x16xf32>,
      %get3A_147 = vector.shape_cast %get3A_146 : vector<1x16xf32> to vector<16xf32>
      %add3A_148 = arith.addf %add3A_106, %get3A_147 : vector<16xf32>
      %get3A_149 = arith.index_cast %scan3A_143 : i32 to index
      %get3A_150 = arith.constant 16 : index
      %get3A_151 = tpu.vector_load %arg4[%get3A_149, %get3A_150] {strides = array<i32>} : memref<64x128xf32, #tpu.memory_space<vmem>>, vector<1x16xf32>,
      %get3A_152 = vector.shape_cast %get3A_151 : vector<1x16xf32> to vector<16xf32>
      %add3A_153 = arith.addf %add3A_111, %get3A_152 : vector<16xf32>
      %get3A_154 = arith.index_cast %scan3A_143 : i32 to index
      %get3A_155 = arith.constant 32 : index
      %get3A_156 = tpu.vector_load %arg4[%get3A_154, %get3A_155] {strides = array<i32>} : memref<64x128xf32, #tpu.memory_space<vmem>>, vector<1x16xf32>,
      %get3A_157 = vector.shape_cast %get3A_156 : vector<1x16xf32> to vector<16xf32>
      %add3A_158 = arith.addf %add3A_116, %get3A_157 : vector<16xf32>
      %get3A_159 = arith.index_cast %scan3A_143 : i32 to index
      %get3A_160 = arith.constant 48 : index
      %get3A_161 = tpu.vector_load %arg4[%get3A_159, %get3A_160] {strides = array<i32>} : memref<64x128xf32, #tpu.memory_space<vmem>>, vector<1x16xf32>,
      %get3A_162 = vector.shape_cast %get3A_161 : vector<1x16xf32> to vector<16xf32>
      %add3A_163 = arith.addf %add3A_121, %get3A_162 : vector<16xf32>
      %get3A_164 = arith.index_cast %scan3A_143 : i32 to index
      %get3A_165 = arith.constant 64 : index
      %get3A_166 = tpu.vector_load %arg4[%get3A_164, %get3A_165] {strides = array<i32>} : memref<64x128xf32, #tpu.memory_space<vmem>>, vector<1x16xf32>,
      %get3A_167 = vector.shape_cast %get3A_166 : vector<1x16xf32> to vector<16xf32>
      %add3A_168 = arith.addf %add3A_126, %get3A_167 : vector<16xf32>
      %get3A_169 = arith.index_cast %scan3A_143 : i32 to index
      %get3A_170 = arith.constant 80 : index
      %get3A_171 = tpu.vector_load %arg4[%get3A_169, %get3A_170] {strides = array<i32>} : memref<64x128xf32, #tpu.memory_space<vmem>>, vector<1x16xf32>,
      %get3A_172 = vector.shape_cast %get3A_171 : vector<1x16xf32> to vector<16xf32>
      %add3A_173 = arith.addf %add3A_131, %get3A_172 : vector<16xf32>
      %get3A_174 = arith.index_cast %scan3A_143 : i32 to index
      %get3A_175 = arith.constant 96 : index
      %get3A_176 = tpu.vector_load %arg4[%get3A_174, %get3A_175] {strides = array<i32>} : memref<64x128xf32, #tpu.memory_space<vmem>>, vector<1x16xf32>,
      %get3A_177 = vector.shape_cast %get3A_176 : vector<1x16xf32> to vector<16xf32>
      %add3A_178 = arith.addf %add3A_136, %get3A_177 : vector<16xf32>
      %get3A_179 = arith.index_cast %scan3A_143 : i32 to index
      %get3A_180 = arith.constant 112 : index
      %get3A_181 = tpu.vector_load %arg4[%get3A_179, %get3A_180] {strides = array<i32>} : memref<64x128xf32, #tpu.memory_space<vmem>>, vector<1x16xf32>,
      %get3A_182 = vector.shape_cast %get3A_181 : vector<1x16xf32> to vector<16xf32>
      %add3A_183 = arith.addf %add3A_141, %get3A_182 : vector<16xf32>
      %scan3A_184 = arith.constant 2 : i32
      %scan3A_185 = arith.addi %scan3A_94, %scan3A_184 : i32
      %get3A_186 = arith.index_cast %scan3A_185 : i32 to index
      %get3A_187 = arith.constant 0 : index
      %get3A_188 = tpu.vector_load %arg4[%get3A_186, %get3A_187] {strides = array<i32>} : memref<64x128xf32, #tpu.memory_space<vmem>>, vector<1x16xf32>,
      %get3A_189 = vector.shape_cast %get3A_188 : vector<1x16xf32> to vector<16xf32>
      %add3A_190 = arith.addf %add3A_148, %get3A_189 : vector<16xf32>
      %get3A_191 = arith.index_cast %scan3A_185 : i32 to index
      %get3A_192 = arith.constant 16 : index
      %get3A_193 = tpu.vector_load %arg4[%get3A_191, %get3A_192] {strides = array<i32>} : memref<64x128xf32, #tpu.memory_space<vmem>>, vector<1x16xf32>,
      %get3A_194 = vector.shape_cast %get3A_193 : vector<1x16xf32> to vector<16xf32>
      %add3A_195 = arith.addf %add3A_153, %get3A_194 : vector<16xf32>
      %get3A_196 = arith.index_cast %scan3A_185 : i32 to index
      %get3A_197 = arith.constant 32 : index
      %get3A_198 = tpu.vector_load %arg4[%get3A_196, %get3A_197] {strides = array<i32>} : memref<64x128xf32, #tpu.memory_space<vmem>>, vector<1x16xf32>,
      %get3A_199 = vector.shape_cast %get3A_198 : vector<1x16xf32> to vector<16xf32>
      %add3A_200 = arith.addf %add3A_158, %get3A_199 : vector<16xf32>
      %get3A_201 = arith.index_cast %scan3A_185 : i32 to index
      %get3A_202 = arith.constant 48 : index
      %get3A_203 = tpu.vector_load %arg4[%get3A_201, %get3A_202] {strides = array<i32>} : memref<64x128xf32, #tpu.memory_space<vmem>>, vector<1x16xf32>,
      %get3A_204 = vector.shape_cast %get3A_203 : vector<1x16xf32> to vector<16xf32>
      %add3A_205 = arith.addf %add3A_163, %get3A_204 : vector<16xf32>
      %get3A_206 = arith.index_cast %scan3A_185 : i32 to index
      %get3A_207 = arith.constant 64 : index
      %get3A_208 = tpu.vector_load %arg4[%get3A_206, %get3A_207] {strides = array<i32>} : memref<64x128xf32, #tpu.memory_space<vmem>>, vector<1x16xf32>,
      %get3A_209 = vector.shape_cast %get3A_208 : vector<1x16xf32> to vector<16xf32>
      %add3A_210 = arith.addf %add3A_168, %get3A_209 : vector<16xf32>
      %get3A_211 = arith.index_cast %scan3A_185 : i32 to index
      %get3A_212 = arith.constant 80 : index
      %get3A_213 = tpu.vector_load %arg4[%get3A_211, %get3A_212] {strides = array<i32>} : memref<64x128xf32, #tpu.memory_space<vmem>>, vector<1x16xf32>,
      %get3A_214 = vector.shape_cast %get3A_213 : vector<1x16xf32> to vector<16xf32>
      %add3A_215 = arith.addf %add3A_173, %get3A_214 : vector<16xf32>
      %get3A_216 = arith.index_cast %scan3A_185 : i32 to index
      %get3A_217 = arith.constant 96 : index
      %get3A_218 = tpu.vector_load %arg4[%get3A_216, %get3A_217] {strides = array<i32>} : memref<64x128xf32, #tpu.memory_space<vmem>>, vector<1x16xf32>,
      %get3A_219 = vector.shape_cast %get3A_218 : vector<1x16xf32> to vector<16xf32>
      %add3A_220 = arith.addf %add3A_178, %get3A_219 : vector<16xf32>
      %get3A_221 = arith.index_cast %scan3A_185 : i32 to index
      %get3A_222 = arith.constant 112 : index
      %get3A_223 = tpu.vector_load %arg4[%get3A_221, %get3A_222] {strides = array<i32>} : memref<64x128xf32, #tpu.memory_space<vmem>>, vector<1x16xf32>,
      %get3A_224 = vector.shape_cast %get3A_223 : vector<1x16xf32> to vector<16xf32>
      %add3A_225 = arith.addf %add3A_183, %get3A_224 : vector<16xf32>
      %scan3A_226 = arith.constant 3 : i32
      %scan3A_227 = arith.addi %scan3A_94, %scan3A_226 : i32
      %get3A_228 = arith.index_cast %scan3A_227 : i32 to index
      %get3A_229 = arith.constant 0 : index
      %get3A_230 = tpu.vector_load %arg4[%get3A_228, %get3A_229] {strides = array<i32>} : memref<64x128xf32, #tpu.memory_space<vmem>>, vector<1x16xf32>,
      %get3A_231 = vector.shape_cast %get3A_230 : vector<1x16xf32> to vector<16xf32>
      %add3A_232 = arith.addf %add3A_190, %get3A_231 : vector<16xf32>
      %get3A_233 = arith.index_cast %scan3A_227 : i32 to index
      %get3A_234 = arith.constant 16 : index
      %get3A_235 = tpu.vector_load %arg4[%get3A_233, %get3A_234] {strides = array<i32>} : memref<64x128xf32, #tpu.memory_space<vmem>>, vector<1x16xf32>,
      %get3A_236 = vector.shape_cast %get3A_235 : vector<1x16xf32> to vector<16xf32>
      %add3A_237 = arith.addf %add3A_195, %get3A_236 : vector<16xf32>
      %get3A_238 = arith.index_cast %scan3A_227 : i32 to index
      %get3A_239 = arith.constant 32 : index
      %get3A_240 = tpu.vector_load %arg4[%get3A_238, %get3A_239] {strides = array<i32>} : memref<64x128xf32, #tpu.memory_space<vmem>>, vector<1x16xf32>,
      %get3A_241 = vector.shape_cast %get3A_240 : vector<1x16xf32> to vector<16xf32>
      %add3A_242 = arith.addf %add3A_200, %get3A_241 : vector<16xf32>
      %get3A_243 = arith.index_cast %scan3A_227 : i32 to index
      %get3A_244 = arith.constant 48 : index
      %get3A_245 = tpu.vector_load %arg4[%get3A_243, %get3A_244] {strides = array<i32>} : memref<64x128xf32, #tpu.memory_space<vmem>>, vector<1x16xf32>,
      %get3A_246 = vector.shape_cast %get3A_245 : vector<1x16xf32> to vector<16xf32>
      %add3A_247 = arith.addf %add3A_205, %get3A_246 : vector<16xf32>
      %get3A_248 = arith.index_cast %scan3A_227 : i32 to index
      %get3A_249 = arith.constant 64 : index
      %get3A_250 = tpu.vector_load %arg4[%get3A_248, %get3A_249] {strides = array<i32>} : memref<64x128xf32, #tpu.memory_space<vmem>>, vector<1x16xf32>,
      %get3A_251 = vector.shape_cast %get3A_250 : vector<1x16xf32> to vector<16xf32>
      %add3A_252 = arith.addf %add3A_210, %get3A_251 : vector<16xf32>
      %get3A_253 = arith.index_cast %scan3A_227 : i32 to index
      %get3A_254 = arith.constant 80 : index
      %get3A_255 = tpu.vector_load %arg4[%get3A_253, %get3A_254] {strides = array<i32>} : memref<64x128xf32, #tpu.memory_space<vmem>>, vector<1x16xf32>,
      %get3A_256 = vector.shape_cast %get3A_255 : vector<1x16xf32> to vector<16xf32>
      %add3A_257 = arith.addf %add3A_215, %get3A_256 : vector<16xf32>
      %get3A_258 = arith.index_cast %scan3A_227 : i32 to index
      %get3A_259 = arith.constant 96 : index
      %get3A_260 = tpu.vector_load %arg4[%get3A_258, %get3A_259] {strides = array<i32>} : memref<64x128xf32, #tpu.memory_space<vmem>>, vector<1x16xf32>,
      %get3A_261 = vector.shape_cast %get3A_260 : vector<1x16xf32> to vector<16xf32>
      %add3A_262 = arith.addf %add3A_220, %get3A_261 : vector<16xf32>
      %get3A_263 = arith.index_cast %scan3A_227 : i32 to index
      %get3A_264 = arith.constant 112 : index
      %get3A_265 = tpu.vector_load %arg4[%get3A_263, %get3A_264] {strides = array<i32>} : memref<64x128xf32, #tpu.memory_space<vmem>>, vector<1x16xf32>,
      %get3A_266 = vector.shape_cast %get3A_265 : vector<1x16xf32> to vector<16xf32>
      %add3A_267 = arith.addf %add3A_225, %get3A_266 : vector<16xf32>
      scf.yield %add3A_232, %add3A_237, %add3A_242, %add3A_247, %add3A_252, %add3A_257, %add3A_262, %add3A_267 : vector<16xf32>, vector<16xf32>, vector<16xf32>, vector<16xf32>, vector<16xf32>, vector<16xf32>, vector<16xf32>, vector<16xf32>
    }
    %scan3A_36 = arith.constant 64 : i32
    %dma_wait3A_37 = arith.constant 0 : i32
    %dma_wait3A_38 = tpu.memref_slice %arg2[%add3A_9, %dma_wait3A_37] : memref<16384x128xf32, #tpu.memory_space<hbm>> -> memref<64x128xf32, #tpu.memory_space<hbm>>
    %dma_wait3A_39 = arith.constant 0 : i32
    %dma_wait3A_40 = tpu.memref_slice %arg2[%add3A_9, %dma_wait3A_39] : memref<16384x128xf32, #tpu.memory_space<hbm>> -> memref<64x128xf32, #tpu.memory_space<hbm>>
    tpu.wait_dma2 semaphore(%arg8 : memref<!tpu.dma_semaphore, #tpu.memory_space<semaphore_mem>>) src(%dma_wait3A_40 : memref<64x128xf32, #tpu.memory_space<hbm>>) dst(%arg5 : memref<64x128xf32, #tpu.memory_space<vmem>>)
    %scan3A_41 = arith.constant 0 : i32
    %scan3A_42 = arith.constant 64 : i32
    %scan3A_43 = arith.addi %scan3A_41, %scan3A_42 : i32
    %scan3A_44 = arith.constant 4 : i32
    %scan3A_45:8 = scf.for %scan3A_94 = %scan3A_41 to %scan3A_43 step %scan3A_44 iter_args(%scan3A_95 = %scan3A_35#0, %scan3A_96 = %scan3A_35#1, %scan3A_97 = %scan3A_35#2, %scan3A_98 = %scan3A_35#3, %scan3A_99 = %scan3A_35#4, %scan3A_100 = %scan3A_35#5, %scan3A_101 = %scan3A_35#6, %scan3A_102 = %scan3A_35#7) -> (vector<16xf32>, vector<16xf32>, vector<16xf32>, vector<16xf32>, vector<16xf32>, vector<16xf32>, vector<16xf32>, vector<16xf32>)  : i32 {
      %get3A = arith.index_cast %scan3A_94 : i32 to index
      %get3A_103 = arith.constant 0 : index
      %get3A_104 = tpu.vector_load %arg5[%get3A, %get3A_103] {strides = array<i32>} : memref<64x128xf32, #tpu.memory_space<vmem>>, vector<1x16xf32>,
      %get3A_105 = vector.shape_cast %get3A_104 : vector<1x16xf32> to vector<16xf32>
      %add3A_106 = arith.addf %scan3A_95, %get3A_105 : vector<16xf32>
      %get3A_107 = arith.index_cast %scan3A_94 : i32 to index
      %get3A_108 = arith.constant 16 : index
      %get3A_109 = tpu.vector_load %arg5[%get3A_107, %get3A_108] {strides = array<i32>} : memref<64x128xf32, #tpu.memory_space<vmem>>, vector<1x16xf32>,
      %get3A_110 = vector.shape_cast %get3A_109 : vector<1x16xf32> to vector<16xf32>
      %add3A_111 = arith.addf %scan3A_96, %get3A_110 : vector<16xf32>
      %get3A_112 = arith.index_cast %scan3A_94 : i32 to index
      %get3A_113 = arith.constant 32 : index
      %get3A_114 = tpu.vector_load %arg5[%get3A_112, %get3A_113] {strides = array<i32>} : memref<64x128xf32, #tpu.memory_space<vmem>>, vector<1x16xf32>,
      %get3A_115 = vector.shape_cast %get3A_114 : vector<1x16xf32> to vector<16xf32>
      %add3A_116 = arith.addf %scan3A_97, %get3A_115 : vector<16xf32>
      %get3A_117 = arith.index_cast %scan3A_94 : i32 to index
      %get3A_118 = arith.constant 48 : index
      %get3A_119 = tpu.vector_load %arg5[%get3A_117, %get3A_118] {strides = array<i32>} : memref<64x128xf32, #tpu.memory_space<vmem>>, vector<1x16xf32>,
      %get3A_120 = vector.shape_cast %get3A_119 : vector<1x16xf32> to vector<16xf32>
      %add3A_121 = arith.addf %scan3A_98, %get3A_120 : vector<16xf32>
      %get3A_122 = arith.index_cast %scan3A_94 : i32 to index
      %get3A_123 = arith.constant 64 : index
      %get3A_124 = tpu.vector_load %arg5[%get3A_122, %get3A_123] {strides = array<i32>} : memref<64x128xf32, #tpu.memory_space<vmem>>, vector<1x16xf32>,
      %get3A_125 = vector.shape_cast %get3A_124 : vector<1x16xf32> to vector<16xf32>
      %add3A_126 = arith.addf %scan3A_99, %get3A_125 : vector<16xf32>
      %get3A_127 = arith.index_cast %scan3A_94 : i32 to index
      %get3A_128 = arith.constant 80 : index
      %get3A_129 = tpu.vector_load %arg5[%get3A_127, %get3A_128] {strides = array<i32>} : memref<64x128xf32, #tpu.memory_space<vmem>>, vector<1x16xf32>,
      %get3A_130 = vector.shape_cast %get3A_129 : vector<1x16xf32> to vector<16xf32>
      %add3A_131 = arith.addf %scan3A_100, %get3A_130 : vector<16xf32>
      %get3A_132 = arith.index_cast %scan3A_94 : i32 to index
      %get3A_133 = arith.constant 96 : index
      %get3A_134 = tpu.vector_load %arg5[%get3A_132, %get3A_133] {strides = array<i32>} : memref<64x128xf32, #tpu.memory_space<vmem>>, vector<1x16xf32>,
      %get3A_135 = vector.shape_cast %get3A_134 : vector<1x16xf32> to vector<16xf32>
      %add3A_136 = arith.addf %scan3A_101, %get3A_135 : vector<16xf32>
      %get3A_137 = arith.index_cast %scan3A_94 : i32 to index
      %get3A_138 = arith.constant 112 : index
      %get3A_139 = tpu.vector_load %arg5[%get3A_137, %get3A_138] {strides = array<i32>} : memref<64x128xf32, #tpu.memory_space<vmem>>, vector<1x16xf32>,
      %get3A_140 = vector.shape_cast %get3A_139 : vector<1x16xf32> to vector<16xf32>
      %add3A_141 = arith.addf %scan3A_102, %get3A_140 : vector<16xf32>
      %scan3A_142 = arith.constant 1 : i32
      %scan3A_143 = arith.addi %scan3A_94, %scan3A_142 : i32
      %get3A_144 = arith.index_cast %scan3A_143 : i32 to index
      %get3A_145 = arith.constant 0 : index
      %get3A_146 = tpu.vector_load %arg5[%get3A_144, %get3A_145] {strides = array<i32>} : memref<64x128xf32, #tpu.memory_space<vmem>>, vector<1x16xf32>,
      %get3A_147 = vector.shape_cast %get3A_146 : vector<1x16xf32> to vector<16xf32>
      %add3A_148 = arith.addf %add3A_106, %get3A_147 : vector<16xf32>
      %get3A_149 = arith.index_cast %scan3A_143 : i32 to index
      %get3A_150 = arith.constant 16 : index
      %get3A_151 = tpu.vector_load %arg5[%get3A_149, %get3A_150] {strides = array<i32>} : memref<64x128xf32, #tpu.memory_space<vmem>>, vector<1x16xf32>,
      %get3A_152 = vector.shape_cast %get3A_151 : vector<1x16xf32> to vector<16xf32>
      %add3A_153 = arith.addf %add3A_111, %get3A_152 : vector<16xf32>
      %get3A_154 = arith.index_cast %scan3A_143 : i32 to index
      %get3A_155 = arith.constant 32 : index
      %get3A_156 = tpu.vector_load %arg5[%get3A_154, %get3A_155] {strides = array<i32>} : memref<64x128xf32, #tpu.memory_space<vmem>>, vector<1x16xf32>,
      %get3A_157 = vector.shape_cast %get3A_156 : vector<1x16xf32> to vector<16xf32>
      %add3A_158 = arith.addf %add3A_116, %get3A_157 : vector<16xf32>
      %get3A_159 = arith.index_cast %scan3A_143 : i32 to index
      %get3A_160 = arith.constant 48 : index
      %get3A_161 = tpu.vector_load %arg5[%get3A_159, %get3A_160] {strides = array<i32>} : memref<64x128xf32, #tpu.memory_space<vmem>>, vector<1x16xf32>,
      %get3A_162 = vector.shape_cast %get3A_161 : vector<1x16xf32> to vector<16xf32>
      %add3A_163 = arith.addf %add3A_121, %get3A_162 : vector<16xf32>
      %get3A_164 = arith.index_cast %scan3A_143 : i32 to index
      %get3A_165 = arith.constant 64 : index
      %get3A_166 = tpu.vector_load %arg5[%get3A_164, %get3A_165] {strides = array<i32>} : memref<64x128xf32, #tpu.memory_space<vmem>>, vector<1x16xf32>,
      %get3A_167 = vector.shape_cast %get3A_166 : vector<1x16xf32> to vector<16xf32>
      %add3A_168 = arith.addf %add3A_126, %get3A_167 : vector<16xf32>
      %get3A_169 = arith.index_cast %scan3A_143 : i32 to index
      %get3A_170 = arith.constant 80 : index
      %get3A_171 = tpu.vector_load %arg5[%get3A_169, %get3A_170] {strides = array<i32>} : memref<64x128xf32, #tpu.memory_space<vmem>>, vector<1x16xf32>,
      %get3A_172 = vector.shape_cast %get3A_171 : vector<1x16xf32> to vector<16xf32>
      %add3A_173 = arith.addf %add3A_131, %get3A_172 : vector<16xf32>
      %get3A_174 = arith.index_cast %scan3A_143 : i32 to index
      %get3A_175 = arith.constant 96 : index
      %get3A_176 = tpu.vector_load %arg5[%get3A_174, %get3A_175] {strides = array<i32>} : memref<64x128xf32, #tpu.memory_space<vmem>>, vector<1x16xf32>,
      %get3A_177 = vector.shape_cast %get3A_176 : vector<1x16xf32> to vector<16xf32>
      %add3A_178 = arith.addf %add3A_136, %get3A_177 : vector<16xf32>
      %get3A_179 = arith.index_cast %scan3A_143 : i32 to index
      %get3A_180 = arith.constant 112 : index
      %get3A_181 = tpu.vector_load %arg5[%get3A_179, %get3A_180] {strides = array<i32>} : memref<64x128xf32, #tpu.memory_space<vmem>>, vector<1x16xf32>,
      %get3A_182 = vector.shape_cast %get3A_181 : vector<1x16xf32> to vector<16xf32>
      %add3A_183 = arith.addf %add3A_141, %get3A_182 : vector<16xf32>
      %scan3A_184 = arith.constant 2 : i32
      %scan3A_185 = arith.addi %scan3A_94, %scan3A_184 : i32
      %get3A_186 = arith.index_cast %scan3A_185 : i32 to index
      %get3A_187 = arith.constant 0 : index
      %get3A_188 = tpu.vector_load %arg5[%get3A_186, %get3A_187] {strides = array<i32>} : memref<64x128xf32, #tpu.memory_space<vmem>>, vector<1x16xf32>,
      %get3A_189 = vector.shape_cast %get3A_188 : vector<1x16xf32> to vector<16xf32>
      %add3A_190 = arith.addf %add3A_148, %get3A_189 : vector<16xf32>
      %get3A_191 = arith.index_cast %scan3A_185 : i32 to index
      %get3A_192 = arith.constant 16 : index
      %get3A_193 = tpu.vector_load %arg5[%get3A_191, %get3A_192] {strides = array<i32>} : memref<64x128xf32, #tpu.memory_space<vmem>>, vector<1x16xf32>,
      %get3A_194 = vector.shape_cast %get3A_193 : vector<1x16xf32> to vector<16xf32>
      %add3A_195 = arith.addf %add3A_153, %get3A_194 : vector<16xf32>
      %get3A_196 = arith.index_cast %scan3A_185 : i32 to index
      %get3A_197 = arith.constant 32 : index
      %get3A_198 = tpu.vector_load %arg5[%get3A_196, %get3A_197] {strides = array<i32>} : memref<64x128xf32, #tpu.memory_space<vmem>>, vector<1x16xf32>,
      %get3A_199 = vector.shape_cast %get3A_198 : vector<1x16xf32> to vector<16xf32>
      %add3A_200 = arith.addf %add3A_158, %get3A_199 : vector<16xf32>
      %get3A_201 = arith.index_cast %scan3A_185 : i32 to index
      %get3A_202 = arith.constant 48 : index
      %get3A_203 = tpu.vector_load %arg5[%get3A_201, %get3A_202] {strides = array<i32>} : memref<64x128xf32, #tpu.memory_space<vmem>>, vector<1x16xf32>,
      %get3A_204 = vector.shape_cast %get3A_203 : vector<1x16xf32> to vector<16xf32>
      %add3A_205 = arith.addf %add3A_163, %get3A_204 : vector<16xf32>
      %get3A_206 = arith.index_cast %scan3A_185 : i32 to index
      %get3A_207 = arith.constant 64 : index
      %get3A_208 = tpu.vector_load %arg5[%get3A_206, %get3A_207] {strides = array<i32>} : memref<64x128xf32, #tpu.memory_space<vmem>>, vector<1x16xf32>,
      %get3A_209 = vector.shape_cast %get3A_208 : vector<1x16xf32> to vector<16xf32>
      %add3A_210 = arith.addf %add3A_168, %get3A_209 : vector<16xf32>
      %get3A_211 = arith.index_cast %scan3A_185 : i32 to index
      %get3A_212 = arith.constant 80 : index
      %get3A_213 = tpu.vector_load %arg5[%get3A_211, %get3A_212] {strides = array<i32>} : memref<64x128xf32, #tpu.memory_space<vmem>>, vector<1x16xf32>,
      %get3A_214 = vector.shape_cast %get3A_213 : vector<1x16xf32> to vector<16xf32>
      %add3A_215 = arith.addf %add3A_173, %get3A_214 : vector<16xf32>
      %get3A_216 = arith.index_cast %scan3A_185 : i32 to index
      %get3A_217 = arith.constant 96 : index
      %get3A_218 = tpu.vector_load %arg5[%get3A_216, %get3A_217] {strides = array<i32>} : memref<64x128xf32, #tpu.memory_space<vmem>>, vector<1x16xf32>,
      %get3A_219 = vector.shape_cast %get3A_218 : vector<1x16xf32> to vector<16xf32>
      %add3A_220 = arith.addf %add3A_178, %get3A_219 : vector<16xf32>
      %get3A_221 = arith.index_cast %scan3A_185 : i32 to index
      %get3A_222 = arith.constant 112 : index
      %get3A_223 = tpu.vector_load %arg5[%get3A_221, %get3A_222] {strides = array<i32>} : memref<64x128xf32, #tpu.memory_space<vmem>>, vector<1x16xf32>,
      %get3A_224 = vector.shape_cast %get3A_223 : vector<1x16xf32> to vector<16xf32>
      %add3A_225 = arith.addf %add3A_183, %get3A_224 : vector<16xf32>
      %scan3A_226 = arith.constant 3 : i32
      %scan3A_227 = arith.addi %scan3A_94, %scan3A_226 : i32
      %get3A_228 = arith.index_cast %scan3A_227 : i32 to index
      %get3A_229 = arith.constant 0 : index
      %get3A_230 = tpu.vector_load %arg5[%get3A_228, %get3A_229] {strides = array<i32>} : memref<64x128xf32, #tpu.memory_space<vmem>>, vector<1x16xf32>,
      %get3A_231 = vector.shape_cast %get3A_230 : vector<1x16xf32> to vector<16xf32>
      %add3A_232 = arith.addf %add3A_190, %get3A_231 : vector<16xf32>
      %get3A_233 = arith.index_cast %scan3A_227 : i32 to index
      %get3A_234 = arith.constant 16 : index
      %get3A_235 = tpu.vector_load %arg5[%get3A_233, %get3A_234] {strides = array<i32>} : memref<64x128xf32, #tpu.memory_space<vmem>>, vector<1x16xf32>,
      %get3A_236 = vector.shape_cast %get3A_235 : vector<1x16xf32> to vector<16xf32>
      %add3A_237 = arith.addf %add3A_195, %get3A_236 : vector<16xf32>
      %get3A_238 = arith.index_cast %scan3A_227 : i32 to index
      %get3A_239 = arith.constant 32 : index
      %get3A_240 = tpu.vector_load %arg5[%get3A_238, %get3A_239] {strides = array<i32>} : memref<64x128xf32, #tpu.memory_space<vmem>>, vector<1x16xf32>,
      %get3A_241 = vector.shape_cast %get3A_240 : vector<1x16xf32> to vector<16xf32>
      %add3A_242 = arith.addf %add3A_200, %get3A_241 : vector<16xf32>
      %get3A_243 = arith.index_cast %scan3A_227 : i32 to index
      %get3A_244 = arith.constant 48 : index
      %get3A_245 = tpu.vector_load %arg5[%get3A_243, %get3A_244] {strides = array<i32>} : memref<64x128xf32, #tpu.memory_space<vmem>>, vector<1x16xf32>,
      %get3A_246 = vector.shape_cast %get3A_245 : vector<1x16xf32> to vector<16xf32>
      %add3A_247 = arith.addf %add3A_205, %get3A_246 : vector<16xf32>
      %get3A_248 = arith.index_cast %scan3A_227 : i32 to index
      %get3A_249 = arith.constant 64 : index
      %get3A_250 = tpu.vector_load %arg5[%get3A_248, %get3A_249] {strides = array<i32>} : memref<64x128xf32, #tpu.memory_space<vmem>>, vector<1x16xf32>,
      %get3A_251 = vector.shape_cast %get3A_250 : vector<1x16xf32> to vector<16xf32>
      %add3A_252 = arith.addf %add3A_210, %get3A_251 : vector<16xf32>
      %get3A_253 = arith.index_cast %scan3A_227 : i32 to index
      %get3A_254 = arith.constant 80 : index
      %get3A_255 = tpu.vector_load %arg5[%get3A_253, %get3A_254] {strides = array<i32>} : memref<64x128xf32, #tpu.memory_space<vmem>>, vector<1x16xf32>,
      %get3A_256 = vector.shape_cast %get3A_255 : vector<1x16xf32> to vector<16xf32>
      %add3A_257 = arith.addf %add3A_215, %get3A_256 : vector<16xf32>
      %get3A_258 = arith.index_cast %scan3A_227 : i32 to index
      %get3A_259 = arith.constant 96 : index
      %get3A_260 = tpu.vector_load %arg5[%get3A_258, %get3A_259] {strides = array<i32>} : memref<64x128xf32, #tpu.memory_space<vmem>>, vector<1x16xf32>,
      %get3A_261 = vector.shape_cast %get3A_260 : vector<1x16xf32> to vector<16xf32>
      %add3A_262 = arith.addf %add3A_220, %get3A_261 : vector<16xf32>
      %get3A_263 = arith.index_cast %scan3A_227 : i32 to index
      %get3A_264 = arith.constant 112 : index
      %get3A_265 = tpu.vector_load %arg5[%get3A_263, %get3A_264] {strides = array<i32>} : memref<64x128xf32, #tpu.memory_space<vmem>>, vector<1x16xf32>,
      %get3A_266 = vector.shape_cast %get3A_265 : vector<1x16xf32> to vector<16xf32>
      %add3A_267 = arith.addf %add3A_225, %get3A_266 : vector<16xf32>
      scf.yield %add3A_232, %add3A_237, %add3A_242, %add3A_247, %add3A_252, %add3A_257, %add3A_262, %add3A_267 : vector<16xf32>, vector<16xf32>, vector<16xf32>, vector<16xf32>, vector<16xf32>, vector<16xf32>, vector<16xf32>, vector<16xf32>
    }
    %scan3A_46 = arith.constant 64 : i32
    %swap3A = arith.constant 0 : i32
    %swap3A_47 = arith.index_cast %swap3A : i32 to index
    %swap3A_48 = arith.constant 0 : index
    %swap3A_49 = tpu.vector_load %arg6[%swap3A_47, %swap3A_48] {strides = array<i32>} : memref<1x128xf32, #tpu.memory_space<vmem>>, vector<1x16xf32>,
    %swap3A_50 = vector.shape_cast %swap3A_49 : vector<1x16xf32> to vector<16xf32>
    %swap3A_51 = vector.shape_cast %scan3A_45#0 : vector<16xf32> to vector<1x16xf32>
    tpu.vector_store %arg6[%swap3A_47, %swap3A_48], %swap3A_51 {strides = array<i32>} : memref<1x128xf32, #tpu.memory_space<vmem>>, vector<1x16xf32>,
    %swap3A_52 = arith.constant 0 : i32
    %swap3A_53 = arith.index_cast %swap3A_52 : i32 to index
    %swap3A_54 = arith.constant 16 : index
    %swap3A_55 = tpu.vector_load %arg6[%swap3A_53, %swap3A_54] {strides = array<i32>} : memref<1x128xf32, #tpu.memory_space<vmem>>, vector<1x16xf32>,
    %swap3A_56 = vector.shape_cast %swap3A_55 : vector<1x16xf32> to vector<16xf32>
    %swap3A_57 = vector.shape_cast %scan3A_45#1 : vector<16xf32> to vector<1x16xf32>
    tpu.vector_store %arg6[%swap3A_53, %swap3A_54], %swap3A_57 {strides = array<i32>} : memref<1x128xf32, #tpu.memory_space<vmem>>, vector<1x16xf32>,
    %swap3A_58 = arith.constant 0 : i32
    %swap3A_59 = arith.index_cast %swap3A_58 : i32 to index
    %swap3A_60 = arith.constant 32 : index
    %swap3A_61 = tpu.vector_load %arg6[%swap3A_59, %swap3A_60] {strides = array<i32>} : memref<1x128xf32, #tpu.memory_space<vmem>>, vector<1x16xf32>,
    %swap3A_62 = vector.shape_cast %swap3A_61 : vector<1x16xf32> to vector<16xf32>
    %swap3A_63 = vector.shape_cast %scan3A_45#2 : vector<16xf32> to vector<1x16xf32>
    tpu.vector_store %arg6[%swap3A_59, %swap3A_60], %swap3A_63 {strides = array<i32>} : memref<1x128xf32, #tpu.memory_space<vmem>>, vector<1x16xf32>,
    %swap3A_64 = arith.constant 0 : i32
    %swap3A_65 = arith.index_cast %swap3A_64 : i32 to index
    %swap3A_66 = arith.constant 48 : index
    %swap3A_67 = tpu.vector_load %arg6[%swap3A_65, %swap3A_66] {strides = array<i32>} : memref<1x128xf32, #tpu.memory_space<vmem>>, vector<1x16xf32>,
    %swap3A_68 = vector.shape_cast %swap3A_67 : vector<1x16xf32> to vector<16xf32>
    %swap3A_69 = vector.shape_cast %scan3A_45#3 : vector<16xf32> to vector<1x16xf32>
    tpu.vector_store %arg6[%swap3A_65, %swap3A_66], %swap3A_69 {strides = array<i32>} : memref<1x128xf32, #tpu.memory_space<vmem>>, vector<1x16xf32>,
    %swap3A_70 = arith.constant 0 : i32
    %swap3A_71 = arith.index_cast %swap3A_70 : i32 to index
    %swap3A_72 = arith.constant 64 : index
    %swap3A_73 = tpu.vector_load %arg6[%swap3A_71, %swap3A_72] {strides = array<i32>} : memref<1x128xf32, #tpu.memory_space<vmem>>, vector<1x16xf32>,
    %swap3A_74 = vector.shape_cast %swap3A_73 : vector<1x16xf32> to vector<16xf32>
    %swap3A_75 = vector.shape_cast %scan3A_45#4 : vector<16xf32> to vector<1x16xf32>
    tpu.vector_store %arg6[%swap3A_71, %swap3A_72], %swap3A_75 {strides = array<i32>} : memref<1x128xf32, #tpu.memory_space<vmem>>, vector<1x16xf32>,
    %swap3A_76 = arith.constant 0 : i32
    %swap3A_77 = arith.index_cast %swap3A_76 : i32 to index
    %swap3A_78 = arith.constant 80 : index
    %swap3A_79 = tpu.vector_load %arg6[%swap3A_77, %swap3A_78] {strides = array<i32>} : memref<1x128xf32, #tpu.memory_space<vmem>>, vector<1x16xf32>,
    %swap3A_80 = vector.shape_cast %swap3A_79 : vector<1x16xf32> to vector<16xf32>
    %swap3A_81 = vector.shape_cast %scan3A_45#5 : vector<16xf32> to vector<1x16xf32>
    tpu.vector_store %arg6[%swap3A_77, %swap3A_78], %swap3A_81 {strides = array<i32>} : memref<1x128xf32, #tpu.memory_space<vmem>>, vector<1x16xf32>,
    %swap3A_82 = arith.constant 0 : i32
    %swap3A_83 = arith.index_cast %swap3A_82 : i32 to index
    %swap3A_84 = arith.constant 96 : index
    %swap3A_85 = tpu.vector_load %arg6[%swap3A_83, %swap3A_84] {strides = array<i32>} : memref<1x128xf32, #tpu.memory_space<vmem>>, vector<1x16xf32>,
    %swap3A_86 = vector.shape_cast %swap3A_85 : vector<1x16xf32> to vector<16xf32>
    %swap3A_87 = vector.shape_cast %scan3A_45#6 : vector<16xf32> to vector<1x16xf32>
    tpu.vector_store %arg6[%swap3A_83, %swap3A_84], %swap3A_87 {strides = array<i32>} : memref<1x128xf32, #tpu.memory_space<vmem>>, vector<1x16xf32>,
    %swap3A_88 = arith.constant 0 : i32
    %swap3A_89 = arith.index_cast %swap3A_88 : i32 to index
    %swap3A_90 = arith.constant 112 : index
    %swap3A_91 = tpu.vector_load %arg6[%swap3A_89, %swap3A_90] {strides = array<i32>} : memref<1x128xf32, #tpu.memory_space<vmem>>, vector<1x16xf32>,
    %swap3A_92 = vector.shape_cast %swap3A_91 : vector<1x16xf32> to vector<16xf32>
    %swap3A_93 = vector.shape_cast %scan3A_45#7 : vector<16xf32> to vector<1x16xf32>
    tpu.vector_store %arg6[%swap3A_89, %swap3A_90], %swap3A_93 {strides = array<i32>} : memref<1x128xf32, #tpu.memory_space<vmem>>, vector<1x16xf32>,
    "tpu.region"() ({
      %run_scoped3A = tpu.sem_alloc : memref<!tpu.dma_semaphore, #tpu.memory_space<semaphore_mem>>
      %dma_start3A_94 = arith.constant 0 : i32
      %dma_start3A_95 = tpu.memref_slice %arg3[%add3A, %dma_start3A_94] : memref<32x128xf32, #tpu.memory_space<hbm>> -> memref<1x128xf32, #tpu.memory_space<hbm>>
      %dma_start3A_96 = arith.constant 0 : i32
      %dma_start3A_97 = tpu.memref_slice %arg3[%add3A, %dma_start3A_96] : memref<32x128xf32, #tpu.memory_space<hbm>> -> memref<1x128xf32, #tpu.memory_space<hbm>>
      tpu.enqueue_dma source(%arg6 : memref<1x128xf32, #tpu.memory_space<vmem>>) target(%dma_start3A_97 : memref<1x128xf32, #tpu.memory_space<hbm>>) target_semaphore(%run_scoped3A : memref<!tpu.dma_semaphore, #tpu.memory_space<semaphore_mem>>)
      %dma_wait3A_98 = arith.constant 0 : i32
      %dma_wait3A_99 = tpu.memref_slice %arg3[%add3A, %dma_wait3A_98] : memref<32x128xf32, #tpu.memory_space<hbm>> -> memref<1x128xf32, #tpu.memory_space<hbm>>
      %dma_wait3A_100 = arith.constant 0 : i32
      %dma_wait3A_101 = tpu.memref_slice %arg3[%add3A, %dma_wait3A_100] : memref<32x128xf32, #tpu.memory_space<hbm>> -> memref<1x128xf32, #tpu.memory_space<hbm>>
      tpu.wait_dma2 semaphore(%run_scoped3A : memref<!tpu.dma_semaphore, #tpu.memory_space<semaphore_mem>>) src(%arg6 : memref<1x128xf32, #tpu.memory_space<vmem>>) dst(%dma_wait3A_101 : memref<1x128xf32, #tpu.memory_space<hbm>>)
      tpu.yield
    }) : () -> ()
    return
  }
}

module attributes {stable_mosaic.version = 14 : i64} {
  func.func @_tc_choice_body(%arg0: i32, %arg1: memref<32x128xf32, #tpu.memory_space<vmem>>, %arg2: memref<1x128xf32, #tpu.memory_space<vmem>>, %arg3: memref<4096x128xf32, #tpu.memory_space<vmem>>, %arg4: memref<1x128xf32, #tpu.memory_space<vmem>>) attributes {dimension_semantics = [#tpu.dimension_semantics<arbitrary>], iteration_bounds = array<i64: 4>, scalar_prefetch = 0 : i64, scratch_operands = 1 : i64, tpu.core_type = #tpu.core_type<tc>, window_params = [{pipeline_mode = #tpu.pipeline_mode<synchronous>, transform_indices = @transform_0, window_bounds = array<i64: 32, 128>}, {pipeline_mode = #tpu.pipeline_mode<synchronous>, transform_indices = @transform_1, window_bounds = array<i64: 1, 128>}, {transform_indices = @transform_2, window_bounds = array<i64: 4096, 128>}]} {
    %eq3A = arith.constant 0 : i32
    %eq3A_0 = arith.cmpi eq, %arg0, %eq3A : i32
    %convert_element_type3A = arith.extui %eq3A_0 : i1 to i32
    %cond3A = arith.constant 0 : i32
    %cond3A_1 = arith.cmpi ne, %convert_element_type3A, %cond3A : i32
    scf.if %cond3A_1 {
      %get3A_7 = arith.constant 0 : index
      %get3A_8 = arith.constant 0 : index
      %get3A_9 = vector.load %arg1[%get3A_7, %get3A_8] : memref<32x128xf32, #tpu.memory_space<vmem>>, vector<32x128xf32>
      %reduce_sum3A = arith.constant dense<0.000000e+00> : vector<128xf32>
      %reduce_sum3A_10 = vector.multi_reduction <add>, %get3A_9, %reduce_sum3A [0] : vector<32x128xf32> to vector<128xf32>
      %broadcast_in_dim3A_11 = vector.shape_cast %reduce_sum3A_10 : vector<128xf32> to vector<1x128xf32>
      %get3A_12 = arith.constant 0 : index
      %get3A_13 = arith.constant 0 : index
      %get3A_14 = vector.load %arg2[%get3A_12, %get3A_13] : memref<1x128xf32, #tpu.memory_space<vmem>>, vector<1x128xf32>
      %add3A = arith.addf %broadcast_in_dim3A_11, %get3A_14 : vector<1x128xf32>
      %iota3A = tpu.iota {dimensions = array<i32: 1>} : vector<1x128xi32>
      %ge3A = arith.constant 0.000000e+00 : f32
      %ge3A_15 = vector.broadcast %ge3A : f32 to vector<1x128xf32>
      %ge3A_16 = arith.cmpf oge, %add3A, %ge3A_15 : vector<1x128xf32>
      %jit3A = arith.constant 128 : i32
      %broadcast_in_dim3A_17 = vector.broadcast %jit3A : i32 to vector<1x128xi32>
      %select_n3A = arith.select %ge3A_16, %iota3A, %broadcast_in_dim3A_17 : vector<1x128xi1>, vector<1x128xi32>
      %reduce_min3A = vector.shape_cast %select_n3A : vector<1x128xi32> to vector<1x1x128xi32>
      %reduce_min3A_18 = arith.constant dense<2147483647> : vector<1xi32>
      %reduce_min3A_19 = vector.multi_reduction <minsi>, %reduce_min3A, %reduce_min3A_18 [1, 2] : vector<1x1x128xi32> to vector<1xi32>
      %reduce_min3A_20 = vector.shape_cast %reduce_min3A_19 : vector<1xi32> to vector<1x1x1xi32>
      %reduce_min3A_21 = vector.extract %reduce_min3A_20[0, 0, 0] : i32 from vector<1x1x1xi32>
      %ge3A_22 = arith.constant 128 : i32
      %ge3A_23 = arith.cmpi sge, %reduce_min3A_21, %ge3A_22 : i32
      %jit3A_24 = arith.constant 0 : i32
      %select_n3A_25 = arith.select %ge3A_23, %jit3A_24, %reduce_min3A_21 : i32
      %eq3A_26 = vector.broadcast %select_n3A_25 : i32 to vector<1x128xi32>
      %eq3A_27 = arith.cmpi eq, %iota3A, %eq3A_26 : vector<1x128xi32>
      %jit3A_28 = arith.constant 1.000000e+00 : f32
      %jit3A_29 = arith.constant -1.000000e+00 : f32
      %broadcast_in_dim3A_30 = vector.broadcast %jit3A_28 : f32 to vector<1x128xf32>
      %broadcast_in_dim3A_31 = vector.broadcast %jit3A_29 : f32 to vector<1x128xf32>
      %select_n3A_32 = arith.select %eq3A_27, %broadcast_in_dim3A_30, %broadcast_in_dim3A_31 : vector<1x128xi1>, vector<1x128xf32>
      %swap3A_33 = arith.constant 0 : index
      %swap3A_34 = arith.constant 0 : index
      %swap3A_35 = vector.load %arg4[%swap3A_33, %swap3A_34] : memref<1x128xf32, #tpu.memory_space<vmem>>, vector<1x128xf32>
      tpu.vector_store %arg4[%swap3A_33, %swap3A_34], %select_n3A_32 {strides = array<i32>} : memref<1x128xf32, #tpu.memory_space<vmem>>, vector<1x128xf32>,
    } else {
    }
    %get3A = arith.constant 0 : index
    %get3A_2 = arith.constant 0 : index
    %get3A_3 = vector.load %arg4[%get3A, %get3A_2] : memref<1x128xf32, #tpu.memory_space<vmem>>, vector<1x128xf32>
    %broadcast_in_dim3A = vector.shape_cast %get3A_3 : vector<1x128xf32> to vector<1x128xf32>
    %broadcast_in_dim3A_4 = vector.broadcast %broadcast_in_dim3A : vector<1x128xf32> to vector<4096x128xf32>
    %swap3A = arith.constant 0 : index
    %swap3A_5 = arith.constant 0 : index
    %swap3A_6 = vector.load %arg3[%swap3A, %swap3A_5] : memref<4096x128xf32, #tpu.memory_space<vmem>>, vector<4096x128xf32>
    tpu.vector_store %arg3[%swap3A, %swap3A_5], %broadcast_in_dim3A_4 {strides = array<i32>} : memref<4096x128xf32, #tpu.memory_space<vmem>>, vector<4096x128xf32>,
    return
  }
  func.func @transform_0(%arg0: i32) -> (i32, i32) {
    %c0_i32 = arith.constant 0 : i32
    %c0_i32_0 = arith.constant 0 : i32
    %c0_i32_1 = arith.constant 0 : i32
    return %c0_i32, %c0_i32_0 : i32, i32
  }
  func.func @transform_1(%arg0: i32) -> (i32, i32) {
    %c0_i32 = arith.constant 0 : i32
    %c0_i32_0 = arith.constant 0 : i32
    %c0_i32_1 = arith.constant 0 : i32
    return %c0_i32, %c0_i32_0 : i32, i32
  }
  func.func @transform_2(%arg0: i32) -> (i32, i32) {
    %c0_i32 = arith.constant 0 : i32
    %c0_i32_0 = arith.constant 0 : i32
    return %arg0, %c0_i32 : i32, i32
  }
}

module attributes {stable_mosaic.version = 14 : i64} {
  func.func @_tc_reduce_body(%arg0: i32, %arg1: memref<2048x128xf32, #tpu.memory_space<vmem>>, %arg2: memref<1x128xf32, #tpu.memory_space<vmem>>) attributes {dimension_semantics = [#tpu.dimension_semantics<arbitrary>], iteration_bounds = array<i64: 6>, scalar_prefetch = 0 : i64, scratch_operands = 0 : i64, tpu.core_type = #tpu.core_type<tc>, window_params = [{transform_indices = @transform_0, window_bounds = array<i64: 2048, 128>}, {pipeline_mode = #tpu.pipeline_mode<synchronous>, transform_indices = @transform_1, window_bounds = array<i64: 1, 128>}]} {
    %get3A = arith.constant 0 : index
    %get3A_0 = arith.constant 0 : index
    %get3A_1 = vector.load %arg1[%get3A, %get3A_0] : memref<2048x128xf32, #tpu.memory_space<vmem>>, vector<2048x128xf32>
    %reduce_sum3A = arith.constant dense<0.000000e+00> : vector<128xf32>
    %reduce_sum3A_2 = vector.multi_reduction <add>, %get3A_1, %reduce_sum3A [0] : vector<2048x128xf32> to vector<128xf32>
    %broadcast_in_dim3A = vector.shape_cast %reduce_sum3A_2 : vector<128xf32> to vector<1x128xf32>
    %eq3A = arith.constant 0 : i32
    %eq3A_3 = arith.cmpi eq, %arg0, %eq3A : i32
    %convert_element_type3A = arith.extui %eq3A_3 : i1 to i32
    %cond3A = arith.constant 0 : i32
    %cond3A_4 = arith.cmpi ne, %convert_element_type3A, %cond3A : i32
    scf.if %cond3A_4 {
      %swap3A = arith.constant 0 : index
      %swap3A_9 = arith.constant 0 : index
      %swap3A_10 = vector.load %arg2[%swap3A, %swap3A_9] : memref<1x128xf32, #tpu.memory_space<vmem>>, vector<1x128xf32>
      tpu.vector_store %arg2[%swap3A, %swap3A_9], %broadcast_in_dim3A {strides = array<i32>} : memref<1x128xf32, #tpu.memory_space<vmem>>, vector<1x128xf32>,
    } else {
    }
    %gt3A = arith.constant 0 : i32
    %gt3A_5 = arith.cmpi sgt, %arg0, %gt3A : i32
    %convert_element_type3A_6 = arith.extui %gt3A_5 : i1 to i32
    %cond3A_7 = arith.constant 0 : i32
    %cond3A_8 = arith.cmpi ne, %convert_element_type3A_6, %cond3A_7 : i32
    scf.if %cond3A_8 {
      %get3A_9 = arith.constant 0 : index
      %get3A_10 = arith.constant 0 : index
      %get3A_11 = vector.load %arg2[%get3A_9, %get3A_10] : memref<1x128xf32, #tpu.memory_space<vmem>>, vector<1x128xf32>
      %add3A = arith.addf %get3A_11, %broadcast_in_dim3A : vector<1x128xf32>
      %swap3A = arith.constant 0 : index
      %swap3A_12 = arith.constant 0 : index
      %swap3A_13 = vector.load %arg2[%swap3A, %swap3A_12] : memref<1x128xf32, #tpu.memory_space<vmem>>, vector<1x128xf32>
      tpu.vector_store %arg2[%swap3A, %swap3A_12], %add3A {strides = array<i32>} : memref<1x128xf32, #tpu.memory_space<vmem>>, vector<1x128xf32>,
    } else {
    }
    return
  }
  func.func @transform_0(%arg0: i32) -> (i32, i32) {
    %add3A = arith.constant 2 : i32
    %add3A_0 = arith.addi %add3A, %arg0 : i32
    %c0_i32 = arith.constant 0 : i32
    %c0_i32_1 = arith.constant 0 : i32
    return %add3A_0, %c0_i32 : i32, i32
  }
  func.func @transform_1(%arg0: i32) -> (i32, i32) {
    %c0_i32 = arith.constant 0 : i32
    %c0_i32_0 = arith.constant 0 : i32
    %c0_i32_1 = arith.constant 0 : i32
    return %c0_i32, %c0_i32_0 : i32, i32
  }
}

</mosaic_0001>

<sc_bundles>
// kernel: kernel.5.cloned.1.call-start
scs
__scs_entry_jumppad:
0x0: {  	(pc) =	sbr.rel $0x88, $3  }
0x1: {  	(tag) =	ssettag $0x0;
	lr =	simm.s32 $0x1  }
0x2: {  	[smem:$0x3FA0] =	sst lr;
	_ =	strace $0xD0000000  }
0x3: {  	_ = 	snop  }
0x4: {  	_ = 	snop  }
0x5: {  	_ = 	snop  }
0x6: {  	_ = 	snop  }
0x7: {  	_ = 	snop  }
__scs_overlays_trampoline_lowered:
0x8: {  	[smem:$0x3FAF] =	sst s0  }
0x9: {  	[smem:$0x3FB0] =	sst s1  }
0xa: {  	[smem:$0x3FB1] =	sst s2  }
0xb: {  	[smem:$0x3FB2] =	sst s3  }
0xc: {  	[smem:$0x3FB3] =	sst s4  }
0xd: {  	[smem:$0x3FB4] =	sst s5  }
0xe: {  	[smem:$0x3FB5] =	sst s6  }
0xf: {  	[smem:$0x3FB6] =	sst s7  }
0x10: {  	[smem:$0x3FB7] =	sst s8  }
0x11: {  	[smem:$0x3FB8] =	sst s9;
	s0 =	simm.s32 @!p0 $0x0  }
0x12: {  	s1 =	sld [smem:$0x3F9E];
	s0 =	simm.s32 @p0 $0x1  }
0x13: {  	[smem:$0x3FB9] =	sst s0;
	s0 =	simm.s32 @!p1 $0x0  }
0x14: {  	s2 =	sld [smem:$0x3F9D];
	s0 =	simm.s32 @p1 $0x1  }
0x15: {  	[smem:$0x3FBA] =	sst s0;
	s0 =	simm.s32 @!p2 $0x0  }
0x16: {  	s3 =	sld [smem:$0x3FDB];
	s0 =	simm.s32 @p2 $0x1  }
0x17: {  	s4 =	simm.s32 $0x1BF5;
	[smem:$0x3FBC] =	sst s0  }
0x18: {  	s0 =	sld [smem:$0x3F9F];
	_ =	swait.ge [sflag:s4], $0x0  }
0x19: {  	s7 =	sld [smem:$0x3FA0]  }
0x1a: {  	s8 =	sadd.s32 $0xFFFFE003, lr  }
0x1b: {  	s9 =	sadd.s32 $0xFFFFFEF7, lr;
	s5 =	simm.s32 $0xFFFFFFFF;
	p2 =	slt.u32 s8, $0xFFFFF086  }
0x1c: {  	p1 =	slt.u32 s9, $0xF7A;
	s5 =	simm.s32 @!p2 $0x0  }
0x1d: {  	s5 =	simm.s32 @p1 $0x1;
	p0 =	seq.s32 s7, s2  }
0x1e: {  	s7 =	smul.u32 @!p0 $0xF7A, s2;
	p2 =	seq.s32 @!p0 s5, $0x0  }
0x1f: {  	s9 =	smul.u32 $0xF7A, s1;
	s8 =	simm.s32 @!p0 $0x1BF5;
	p2 =	por !p2, p0  }
0x20: {  	[sflag:s8] =	ssyncset.s32 @!p0 $0xFFFFF086;
	s6 =	sadd.s32 @!p0 s3, s7;
	s7 =	simm.s32 @!p0 $0x108  }
0x21: {  	s3 =	sadd.s32 s3, s9;
	s6 =	sadd.s32 @!p0 $0x88, s6;
	s7 =	simm.s32 @p2 $0x1082  }
0x22: {  	[simem:s7], [sflag:s8] =	dma.local @!p0 [hbm:s6], $0xF7A  }
0x23: {  	s9 =	sor.u32 $0xD0000000, s2;
	s6 =	simm.s32 $0x108;
	_ =	swait.ge @!p0 [sflag:s8], $0x0  }
0x24: {  	s3 =	sadd.s32 $0x88, s3;
	s6 =	simm.s32 @!p1 $0x1082;
	[sflag:s4] =	ssyncset.s32 $0xFFFFF086  }
0x25: {  	[simem:s6], [sflag:s4] =	dma.local [hbm:s3], $0xF7A  }
0x26: {  	[smem:$0x3FA0] =	sst s1;
	(tag) =	ssettag s2;
	_ =	strace s9  }
0x27: {  	s1 =	sld [smem:$0x3FB0]  }
0x28: {  	s2 =	sld [smem:$0x3FB1]  }
0x29: {  	s4 =	sld [smem:$0x3FB3]  }
0x2a: {  	p0 =	seq.s32 s5, $0x0;
	s5 =	sld [smem:$0x3FB4]  }
0x2b: {  	s6 =	sld [smem:$0x3FB5]  }
0x2c: {  	s7 =	sld [smem:$0x3FB6]  }
0x2d: {  	s3 =	simm.s32 $0x108;
	s8 =	sld [smem:$0x3FB7]  }
0x2e: {  	s3 =	simm.s32 @!p0 $0x1082;
	s9 =	sld [smem:$0x3FB8]  }
0x2f: {  	lr =	sadd.s32 s0, s3;
	s0 =	sld [smem:$0x3FAF]  }
0x30: {  	s3 =	sld [smem:$0x3FB2]  }
0x31: {  	[smem:$0x3FBB] =	sst s10  }
0x32: {  	s10 =	sld [smem:$0x3FB9];
	_ =	sdelay $0x3  }
0x33: {  	p0 =	seq.s32 s10, $0x1;
	s10 =	sld [smem:$0x3FBB];
	_ =	sdelay $0x3  }
0x34: {  	[smem:$0x3FBB] =	sst s10  }
0x35: {  	s10 =	sld [smem:$0x3FBA];
	_ =	sdelay $0x3  }
0x36: {  	p1 =	seq.s32 s10, $0x1;
	s10 =	sld [smem:$0x3FBB];
	_ =	sdelay $0x3  }
0x37: {  	[smem:$0x3FBB] =	sst s10  }
0x38: {  	s10 =	sld [smem:$0x3FBC]  }
0x39: {  	_ = 	snop;
	(pc) =	sbr.ind lr, $3  }
0x3a: {  	_ = 	snop  }
0x3b: {  	_ = 	snop  }
0x3c: {  	p2 =	seq.s32 s10, $0x1;
	s10 =	sld [smem:$0x3FBB]  }
0x3d: {  	_ =	shalt  }
0x3e: {  	_ =	shalt  }
0x3f: {  	_ =	shalt  }
0x40: {  	_ =	shalt  }
0x41: {  	_ =	shalt  }
0x42: {  	_ =	shalt  }
0x43: {  	_ =	shalt  }
0x44: {  	_ =	shalt  }
0x45: {  	_ =	shalt  }
0x46: {  	_ =	shalt  }
0x47: {  	_ =	shalt  }
0x48: {  	_ =	shalt  }
0x49: {  	_ =	shalt  }
0x4a: {  	_ =	shalt  }
0x4b: {  	_ =	shalt  }
0x4c: {  	_ =	shalt  }
0x4d: {  	_ =	shalt  }
0x4e: {  	_ =	shalt  }
0x4f: {  	_ =	shalt  }
0x50: {  	_ =	shalt  }
0x51: {  	_ =	shalt  }
0x52: {  	_ =	shalt  }
0x53: {  	_ =	shalt  }
0x54: {  	_ =	shalt  }
0x55: {  	_ =	shalt  }
0x56: {  	_ =	shalt  }
0x57: {  	_ =	shalt  }
0x58: {  	_ =	shalt  }
0x59: {  	_ =	shalt  }
0x5a: {  	_ =	shalt  }
0x5b: {  	_ =	shalt  }
0x5c: {  	_ =	shalt  }
0x5d: {  	_ =	shalt  }
0x5e: {  	_ =	shalt  }
0x5f: {  	_ =	shalt  }
0x60: {  	_ =	shalt  }
0x61: {  	_ =	shalt  }
0x62: {  	_ =	shalt  }
0x63: {  	_ =	shalt  }
0x64: {  	_ =	shalt  }
0x65: {  	_ =	shalt  }
0x66: {  	_ =	shalt  }
0x67: {  	_ =	shalt  }
0x68: {  	_ =	shalt  }
0x69: {  	_ =	shalt  }
0x6a: {  	_ =	shalt  }
0x6b: {  	_ =	shalt  }
0x6c: {  	_ =	shalt  }
0x6d: {  	_ =	shalt  }
0x6e: {  	_ =	shalt  }
0x6f: {  	_ =	shalt  }
0x70: {  	_ =	shalt  }
0x71: {  	_ =	shalt  }
0x72: {  	_ =	shalt  }
0x73: {  	_ =	shalt  }
0x74: {  	_ =	shalt  }
0x75: {  	_ =	shalt  }
0x76: {  	_ =	shalt  }
0x77: {  	_ =	shalt  }
0x78: {  	_ =	shalt  }
0x79: {  	_ =	shalt  }
0x7a: {  	_ =	shalt  }
0x7b: {  	_ =	shalt  }
0x7c: {  	_ =	shalt  }
0x7d: {  	_ =	shalt  }
0x7e: {  	_ =	shalt  }
0x7f: {  	_ =	shalt  }
0x80: {  	_ =	shalt  }
0x81: {  	_ =	shalt  }
0x82: {  	_ =	shalt  }
0x83: {  	_ =	shalt  }
0x84: {  	_ =	shalt  }
0x85: {  	_ =	shalt  }
0x86: {  	_ =	shalt  }
0x87: {  	_ =	shalt  }
.Lfunc_end0:
.L_simem_size_0:
called_computation_lowered:
.L_overlay_start_0:
0x88: {  	s2 =	sld [smem:$0x3FD9]  }
0x89: {  	s3 =	sld [smem:$0x3FFE];
	_ =	sdelay $0x1  }
0x8a: {  	s1 =	srdreg.scid  }
0x8b: {  	s0 =	sand.u32 $0x1, s1  }
0x8c: {  	s18 =	sshll.u32 s0, $0xA;
	s2 =	sadd.s32 s3, s2  }
0x8d: {  	s2 =	sadd.s32 s2, s18  }
0x8e: {  	[smem:$0x3FC7] =	sst s2  }
0x8f: {  	_ = 	snop  }
0x90: {  	s2 =	sld [smem:$0x3FC9]  }
0x91: {  	s19 =	sld [smem:$0x3FD0];
	(tm) =	ssettm $0x1  }
0x92: {  	s4 =	sld [smem:$0x3FFB];
	_ =	sdelay $0x3  }
0x93: {  	_ =	strace s4  }
0x94: {  	s4 =	sld [smem:$0x3FFC];
	_ =	sdelay $0x3  }
0x95: {  	_ =	strace s4  }
0x96: {  	s4 =	sld [smem:$0x3FFD];
	_ =	sdelay $0x3  }
0x97: {  	_ =	strace s4  }
0x98: {  	_ =	strace $0x8FFFFFFF  }
0x99: {  	s20 =	sld [smem:$0x3FDB];
	_ =	sdelay $0x1  }
0x9a: {  	s5 =	simm.s32 $_scs_section_size  }
0x9b: {  	s6 =	simm.s32 $_size__tile_overlayer_lowered;
	s7 =	simm.s32 $_tile_overlayer_lowered  }
0x9c: {  	s23 =	simm.s32 $0x1BFF;
	s22 =	sshll.u32 s7, $0x1;
	s4 =	sadd.s32 s5, s20  }
0x9d: {  	s8 =	simm.s32 $0x0;
	s21 =	sshll.u32 s6, $0x1;
	s6 =	sadd.s32 s22, s4  }
0x9e: {  	[timem:s8], [sflag:s23] =	dma.local [hbm:s6], s21  }
0x9f: {  	_ =	swait.ge [sflag:s23], s21  }
0xa0: {  	s5 =	ssub.s32 $0x0, s21;
	[sflag:s23] =	ssyncset.done $0x0  }
0xa1: {  	[sflag:s23] =	ssyncadd.s32 s5;
	_ =	sdelay $0x1  }
0xa2: {  	s24 =	simm.s32 $0x1B8B  }
0xa3: {  	_ =	swait.ge [sflag:s24], $0x1  }
0xa4: {  	[sflag:s24] =	ssyncset.done $0x0  }
0xa5: {  	s25 =	simm.s32 $0x1B8E;
	[sflag:s24] =	ssyncadd.s32 $0xFFFFFFFF  }
0xa6: {  	s26 =	simm.s32 $execute0_lowered;
	[smem:$0x3FD2] =	sst s25  }
0xa7: {  	s5 =	sshll.u32 s26, $0x1;
	_ =	strace $0x80000046;
	[dreg:$0x1] =	wrdreg $0xFFFFFFFF  }
0xa8: {  	s28 =	simm.s32 $_size_execute0_lowered;
	s4 =	sadd.s32 s4, s5;
	[dreg:$0x0] =	wrdreg $0x0  }
0xa9: {  	s5 =	sshll.u32 s28, $0x1;
	[dreg:$0x2] =	wrdreg s4  }
0xaa: {  	[dreg:$0x3] =	wrdreg s5  }
0xab: {  	[dreg:$0x4] =	wrdreg $0xC0  }
0xac: {  	_ =	task [dreg:s8], $0x5FFFF  }
0xad: {  	[dreg:$0x1] =	wrdreg $0xFFFFFFFF  }
0xae: {  	[dreg:$0x0] =	wrdreg $0x60  }
0xaf: {  	[dreg:$0x2] =	wrdreg s2  }
0xb0: {  	[dreg:$0x3] =	wrdreg s19  }
0xb1: {  	[dreg:$0x4] =	wrdreg $0x9  }
0xb2: {  	_ =	task.clear_ibuf [dreg:s8], $0x5FFFF;
	_ =	strace $0x90000046  }
0xb3: {  	s29 =	simm.s32 $0x9;
	_ =	strace $0x80000048  }
0xb4: {  	_ =	swait.ge [sflag:s29], $0x1  }
0xb5: {  	[sflag:s29] =	ssyncadd.s32 $0xFFFFFFFF  }
0xb6: {  	_ =	strace $0x90000048  }
0xb7: {  	_ =	sfence  }
0xb8: {  	s30 =	sld [smem:$0x0];
	_ =	sdelay $0x2  }
0xb9: {  	s31 =	sshll.u32 s1, $0xD;
	s1 =	sshrl.u32 s1, $0x2  }
0xba: {  	s3 =	sand.u32 $0x4000, s31;
	s1 =	sadd.s32 s1, s30  }
0xbb: {  	s0 =	sor.u32 s3, s0;
	s1 =	sshll.u32 s1, $0x11  }
0xbc: {  	s0 =	sor.u32 s1, s0  }
0xbd: {  	s0 =	sadd.s32 $0x8F2B, s0  }
0xbe: {  	[sflag:s0] =	ssyncadd.remote.s32 $0x1  }
0xbf: {  	_ =	sfence.sel $0xFFFF  }
0xc0: {  	[dreg:$0x0] =	wrdreg $0xFFFFFFFF;
	(pc) =	sbr.abs _section_cstart, $3  }
0xc1: {  	[dreg:$0x1] =	wrdreg $0xFFFFFFFF  }
0xc2: {  	_ =	task.clear_ibuf [dreg:s8], $0x2FFFF;
	_ =	strace $0x9FFFFFFF  }
0xc3: {  	(tm) =	ssettm $0x7FFFFFFF  }
tec
execute0_lowered:
.L_overlay_start_1:
0x0: {  	(tag) =	ssettag $0x1  }
0x1: {  	s3 =	rddreg [dreg:$0x0]  }
0x2: {  	s5 =	rddreg [dreg:$0x1]  }
0x3: {  	s0 =	rddreg [dreg:$0x2]  }
0x4: {  	s4 =	srdreg.scid;
	s1 =	stileid.u32  }
0x5: {  	s2 =	simm.s32 $0x0;
	s9 =	simm.s32 $0x2;
	s10 =	simm.s32 $0x4000  }
0x6: {  	s11 =	simm.s32 $0x3;
	s12 =	simm.s32 $0x0;
	s4 =	sand.u32 $0x1, s4  }
0x7: {  	s6 =	sshll.u32 s1, $0x1;
	[smem:$0x7FF] =	sst s2;
	s7 =	ssub.s32 $0x2, s4  }
0x8: {  	s4 =	sor.u32 s4, s6;
	_ =	strace $0x80000047;
	s30 =	sshrl.u32 s7, $0x1  }
0x9: {  	s8 =	sshll.u32 s4, $0xB;
	s31 =	sshll.u32 s4, $0x4;
	s6 =	ssub.s32 s7, s30  }
0xa: {  	s3 =	sadd.s32 s3, s8;
	s5 =	sadd.s32 s5, s31;
	s7 =	simm.s32 $0x2000  }
0xb: {  	s8 =	simm.s32 $0x1;
	s4 =	sadd.s32 $0x400, s3;
	s6 =	smax.u32 s6, $0x1  }
.LBB2_1:
0xc: {  	[tilespmem:s2], [sflag:$0x1] =	stream.linear.gather [hbm4b:s3+s2], $0x2000, $0x38;
	[tilespmem:$0x4080] =	vst v63  }
0xd: {  	_ = 	snop  }
0xe: {  	[tilespmem:s7], [sflag:$0x2] =	stream.linear.gather [hbm4b:s4+s2], $0x2000, $0x38;
	[tilespmem:$0x4080] =	vst v63  }
0xf: {  	_ =	swait.ge [sflag:s8], $0x2000  }
0x10: {  	[sflag:s8] =	ssyncset.done $0x0  }
0x11: {  	s14 =	simm.s32 $0x100;
	[sflag:s8] =	ssyncadd.s32 $0xFFFFE000  }
0x12: {  	v2 =	vld [tilespmem:s14+$0x80]  }
0x13: {  	v3 =	vld [tilespmem:s14+$0x90]  }
0x14: {  	v6 =	vld [tilespmem:s14+$0xA0]  }
0x15: {  	v7 =	vld [tilespmem:s14+$0xB0]  }
0x16: {  	v0 =	vld [tilespmem:s14+$0xC0]  }
0x17: {  	v1 =	vld [tilespmem:s14+$0xD0]  }
0x18: {  	v8 =	vld [tilespmem:s14+$0x0]  }
0x19: {  	v9 =	vld [tilespmem:s14+$0x10]  }
0x1a: {  	v10 =	vld [tilespmem:s14+$0x20]  }
0x1b: {  	v11 =	vld [tilespmem:s14+$0x30]  }
0x1c: {  	v4 =	vld [tilespmem:s14+$0x40]  }
0x1d: {  	v5 =	vld [tilespmem:s14+$0x50]  }
0x1e: {  	v12 =	vld [tilespmem:s14+$0xFFFFFF80]  }
0x1f: {  	v13 =	vld [tilespmem:s14+$0xFFFFFF90]  }
0x20: {  	v14 =	vld [tilespmem:s14+$0xFFFFFF00]  }
0x21: {  	v15 =	vld [tilespmem:s14+$0xFFFFFF10]  }
0x22: {  	v16 =	vld [tilespmem:s14+$0xFFFFFF20]  }
0x23: {  	v17 =	vld [tilespmem:s14+$0xFFFFFF30]  }
0x24: {  	v18 =	vld [tilespmem:s14+$0xFFFFFFA0]  }
0x25: {  	v19 =	vld [tilespmem:s14+$0xFFFFFFB0]  }
0x26: {  	v20 =	vimm.f32 $0.0e+00;
	v21 =	vld [tilespmem:s14+$0xFFFFFFC0]  }
0x27: {  	v22 =	vld [tilespmem:s14+$0xFFFFFFD0];
	v14 =	vadd.f32 v14, v20;
	v15 =	vadd.f32 v15, v20  }
0x28: {  	v23 =	vld [tilespmem:s14+$0xFFFFFF40];
	v16 =	vadd.f32 v16, v20;
	v17 =	vadd.f32 v17, v20  }
0x29: {  	v24 =	vld [tilespmem:s14+$0xFFFFFF50];
	v12 =	vadd.f32 v12, v14;
	v13 =	vadd.f32 v13, v15  }
0x2a: {  	v14 =	vld [tilespmem:s14+$0xFFFFFF60];
	v15 =	vadd.f32 v18, v16;
	v16 =	vadd.f32 v19, v17  }
0x2b: {  	v17 =	vld [tilespmem:s14+$0xFFFFFF70];
	v8 =	vadd.f32 v8, v12;
	v9 =	vadd.f32 v9, v13  }
0x2c: {  	v12 =	vld [tilespmem:s14+$0xFFFFFFE0];
	v10 =	vadd.f32 v10, v15;
	v11 =	vadd.f32 v11, v16  }
0x2d: {  	v15 =	vld [tilespmem:s14+$0xFFFFFFF0];
	v8 =	vadd.f32 v2, v8;
	v9 =	vadd.f32 v3, v9  }
0x2e: {  	v13 =	vld [tilespmem:s14+$0x60];
	v10 =	vadd.f32 v6, v10;
	v11 =	vadd.f32 v7, v11  }
0x2f: {  	v16 =	vld [tilespmem:s14+$0x70];
	v2 =	vadd.f32 v23, v20;
	v3 =	vadd.f32 v24, v20  }
0x30: {  	v18 =	vadd.f32 v14, v20;
	v19 =	vadd.f32 v17, v20;
	v14 =	vld [tilespmem:s14+$0xE0]  }
0x31: {  	s13 =	simm.s32 $0x0;
	v17 =	vld [tilespmem:s14+$0xF0];
	s14 =	simm.s32 $0x300;
	v20 =	vadd.f32 v21, v2;
	v21 =	vadd.f32 v22, v3  }
.LBB2_2:
0x32: {  	v2 =	vld [tilespmem:s14+$0x80];
	v3 =	vadd.f32 v12, v18;
	v6 =	vadd.f32 v15, v19  }
0x33: {  	v7 =	vld [tilespmem:s14+$0x90];
	v4 =	vadd.f32 v4, v20;
	v5 =	vadd.f32 v5, v21  }
0x34: {  	v18 =	vld [tilespmem:s14+$0xA0];
	v3 =	vadd.f32 v13, v3;
	v6 =	vadd.f32 v16, v6  }
0x35: {  	v16 =	vld [tilespmem:s14+$0xB0];
	v19 =	vadd.f32 v0, v4;
	v20 =	vadd.f32 v1, v5  }
0x36: {  	v0 =	vld [tilespmem:s14+$0xC0];
	v3 =	vadd.f32 v14, v3;
	v6 =	vadd.f32 v17, v6  }
0x37: {  	v1 =	vld [tilespmem:s14+$0xD0]  }
0x38: {  	v12 =	vld [tilespmem:s14+$0x0]  }
0x39: {  	v13 =	vld [tilespmem:s14+$0x10]  }
0x3a: {  	v14 =	vld [tilespmem:s14+$0x20]  }
0x3b: {  	v15 =	vld [tilespmem:s14+$0x30]  }
0x3c: {  	v4 =	vld [tilespmem:s14+$0x40]  }
0x3d: {  	v5 =	vld [tilespmem:s14+$0x50]  }
0x3e: {  	v17 =	vld [tilespmem:s14+$0xFFFFFF80]  }
0x3f: {  	v21 =	vld [tilespmem:s14+$0xFFFFFF90]  }
0x40: {  	v22 =	vld [tilespmem:s14+$0xFFFFFF00]  }
0x41: {  	v23 =	vld [tilespmem:s14+$0xFFFFFF10]  }
0x42: {  	v24 =	vld [tilespmem:s14+$0xFFFFFF20]  }
0x43: {  	v25 =	vld [tilespmem:s14+$0xFFFFFF30]  }
0x44: {  	v26 =	vld [tilespmem:s14+$0xFFFFFFA0]  }
0x45: {  	v27 =	vld [tilespmem:s14+$0xFFFFFFB0]  }
0x46: {  	v28 =	vld [tilespmem:s14+$0xFFFFFFC0]  }
0x47: {  	v8 =	vadd.f32 v22, v8;
	v9 =	vadd.f32 v23, v9;
	v22 =	vld [tilespmem:s14+$0xFFFFFFD0]  }
0x48: {  	v10 =	vadd.f32 v24, v10;
	v11 =	vadd.f32 v25, v11;
	v23 =	vld [tilespmem:s14+$0xFFFFFF40]  }
0x49: {  	v8 =	vadd.f32 v17, v8;
	v9 =	vadd.f32 v21, v9;
	v24 =	vld [tilespmem:s14+$0xFFFFFF50]  }
0x4a: {  	v10 =	vadd.f32 v26, v10;
	v17 =	vld [tilespmem:s14+$0xFFFFFF60];
	v11 =	vadd.f32 v27, v11  }
0x4b: {  	s13 =	sadd.s32 $0x4, s13;
	v8 =	vadd.f32 v12, v8;
	v9 =	vadd.f32 v13, v9;
	v21 =	vld [tilespmem:s14+$0xFFFFFF70]  }
0x4c: {  	p0 =	slt.u32 s13, $0x3C;
	v10 =	vadd.f32 v14, v10;
	v12 =	vld [tilespmem:s14+$0xFFFFFFE0];
	v11 =	vadd.f32 v15, v11  }
.Ltmp0:
0x4d: {  	v8 =	vadd.f32 v2, v8;
	v9 =	vadd.f32 v7, v9;
	v15 =	vld [tilespmem:s14+$0xFFFFFFF0];
	(pc) =	sbr.rel @p0 .LBB2_2-.Ltmp0, $4  }
0x4e: {  	v10 =	vadd.f32 v18, v10;
	v13 =	vld [tilespmem:s14+$0x60];
	v11 =	vadd.f32 v16, v11  }
0x4f: {  	v2 =	vadd.f32 v23, v19;
	v7 =	vadd.f32 v24, v20;
	v16 =	vld [tilespmem:s14+$0x70]  }
0x50: {  	v18 =	vadd.f32 v17, v3;
	v19 =	vadd.f32 v21, v6;
	v14 =	vld [tilespmem:s14+$0xE0]  }
0x51: {  	v20 =	vadd.f32 v28, v2;
	v21 =	vadd.f32 v22, v7;
	v17 =	vld [tilespmem:s14+$0xF0];
	s14 =	sadd.s32 $0x200, s14  }
0x52: {  	_ =	swait.ge [sflag:s9], $0x2000  }
0x53: {  	[sflag:s9] =	ssyncset.done $0x0  }
0x54: {  	s14 =	simm.s32 $0x2100;
	[sflag:s9] =	ssyncadd.s32 $0xFFFFE000  }
0x55: {  	v22 =	vld [tilespmem:s14+$0x80]  }
0x56: {  	v23 =	vld [tilespmem:s14+$0x90]  }
0x57: {  	v24 =	vld [tilespmem:s14+$0xA0]  }
0x58: {  	v25 =	vld [tilespmem:s14+$0xB0]  }
0x59: {  	v2 =	vld [tilespmem:s14+$0xC0]  }
0x5a: {  	v3 =	vld [tilespmem:s14+$0xD0]  }
0x5b: {  	v26 =	vld [tilespmem:s14+$0x0]  }
0x5c: {  	v27 =	vld [tilespmem:s14+$0x10]  }
0x5d: {  	v28 =	vld [tilespmem:s14+$0x20]  }
0x5e: {  	v29 =	vld [tilespmem:s14+$0x30]  }
0x5f: {  	v7 =	vld [tilespmem:s14+$0x40]  }
0x60: {  	v6 =	vld [tilespmem:s14+$0x50]  }
0x61: {  	v30 =	vld [tilespmem:s14+$0xFFFFFF80]  }
0x62: {  	v31 =	vld [tilespmem:s14+$0xFFFFFF90]  }
0x63: {  	v12 =	vadd.f32 v12, v18;
	v32 =	vld [tilespmem:s14+$0xFFFFFF00]  }
0x64: {  	v33 =	vld [tilespmem:s14+$0xFFFFFF10]  }
0x65: {  	v15 =	vadd.f32 v15, v19;
	v12 =	vadd.f32 v13, v12;
	v18 =	vld [tilespmem:s14+$0xFFFFFF20]  }
0x66: {  	v4 =	vadd.f32 v4, v20;
	v5 =	vadd.f32 v5, v21;
	v19 =	vld [tilespmem:s14+$0xFFFFFF30]  }
0x67: {  	v13 =	vadd.f32 v16, v15;
	v14 =	vadd.f32 v14, v12;
	v12 =	vld [tilespmem:s14+$0xFFFFFF50]  }
0x68: {  	v15 =	vld [tilespmem:s14+$0xFFFFFFA0];
	v16 =	vadd.f32 v0, v4  }
0x69: {  	v62 =	vadd.f32 v1, v5;
	v0 =	vld [tilespmem:s14+$0xFFFFFFB0];
	v13 =	vadd.f32 v17, v13  }
0x6a: {  	v63 =	vld [tilespmem:s14+$0xFFFFFFD0];
	v1 =	vadd.f32 v32, v8;
	v4 =	vadd.f32 v33, v9  }
0x6b: {  	v5 =	vadd.f32 v18, v10;
	v8 =	vadd.f32 v19, v11;
	v11 =	vld [tilespmem:s14+$0xFFFFFF40]  }
0x6c: {  	v17 =	vld [tilespmem:s14+$0xFFFFFFC0];
	v20 =	vadd.f32 v12, v62;
	v1 =	vadd.f32 v30, v1  }
0x6d: {  	v18 =	vld [tilespmem:s14+$0xFFFFFF60];
	v4 =	vadd.f32 v31, v4;
	v5 =	vadd.f32 v15, v5  }
0x6e: {  	v19 =	vld [tilespmem:s14+$0xFFFFFF70];
	v0 =	vadd.f32 v0, v8;
	v1 =	vadd.f32 v26, v1  }
0x6f: {  	v10 =	vld [tilespmem:s14+$0xFFFFFFF0];
	v4 =	vadd.f32 v27, v4;
	v15 =	vadd.f32 v28, v5  }
0x70: {  	v8 =	vld [tilespmem:s14+$0xFFFFFFE0];
	v0 =	vadd.f32 v29, v0;
	v16 =	vadd.f32 v11, v16  }
0x71: {  	v9 =	vld [tilespmem:s14+$0x60];
	v5 =	vadd.f32 v22, v1;
	v4 =	vadd.f32 v23, v4  }
0x72: {  	v12 =	vld [tilespmem:s14+$0x70];
	v1 =	vadd.f32 v24, v15;
	v0 =	vadd.f32 v25, v0  }
0x73: {  	v11 =	vld [tilespmem:s14+$0xE0];
	v15 =	vadd.f32 v18, v14;
	v14 =	vadd.f32 v19, v13  }
0x74: {  	s13 =	simm.s32 $0x0;
	v13 =	vld [tilespmem:s14+$0xF0];
	s14 =	simm.s32 $0x2300;
	v17 =	vadd.f32 v17, v16;
	v16 =	vadd.f32 v63, v20  }
.LBB2_4:
0x75: {  	v18 =	vld [tilespmem:s14+$0x80];
	v8 =	vadd.f32 v8, v15;
	v10 =	vadd.f32 v10, v14  }
0x76: {  	v14 =	vld [tilespmem:s14+$0x90];
	v7 =	vadd.f32 v7, v17;
	v6 =	vadd.f32 v6, v16  }
0x77: {  	v15 =	vld [tilespmem:s14+$0xA0];
	v8 =	vadd.f32 v9, v8;
	v9 =	vadd.f32 v12, v10  }
0x78: {  	v12 =	vld [tilespmem:s14+$0xB0];
	v16 =	vadd.f32 v2, v7;
	v17 =	vadd.f32 v3, v6  }
0x79: {  	v2 =	vld [tilespmem:s14+$0xC0];
	v11 =	vadd.f32 v11, v8;
	v13 =	vadd.f32 v13, v9  }
0x7a: {  	v3 =	vld [tilespmem:s14+$0xD0]  }
0x7b: {  	v8 =	vld [tilespmem:s14+$0x0]  }
0x7c: {  	v9 =	vld [tilespmem:s14+$0x10]  }
0x7d: {  	v10 =	vld [tilespmem:s14+$0x20]  }
0x7e: {  	v19 =	vld [tilespmem:s14+$0x30]  }
0x7f: {  	v7 =	vld [tilespmem:s14+$0x40]  }
0x80: {  	v6 =	vld [tilespmem:s14+$0x50]  }
0x81: {  	v20 =	vld [tilespmem:s14+$0xFFFFFF80]  }
0x82: {  	v21 =	vld [tilespmem:s14+$0xFFFFFF90]  }
0x83: {  	v22 =	vld [tilespmem:s14+$0xFFFFFF00]  }
0x84: {  	v23 =	vld [tilespmem:s14+$0xFFFFFF10]  }
0x85: {  	v24 =	vld [tilespmem:s14+$0xFFFFFF20]  }
0x86: {  	v25 =	vld [tilespmem:s14+$0xFFFFFF30]  }
0x87: {  	v26 =	vld [tilespmem:s14+$0xFFFFFFA0]  }
0x88: {  	v27 =	vld [tilespmem:s14+$0xFFFFFFB0]  }
0x89: {  	v28 =	vld [tilespmem:s14+$0xFFFFFFC0]  }
0x8a: {  	v5 =	vadd.f32 v22, v5;
	v4 =	vadd.f32 v23, v4;
	v22 =	vld [tilespmem:s14+$0xFFFFFFD0]  }
0x8b: {  	v1 =	vadd.f32 v24, v1;
	v0 =	vadd.f32 v25, v0;
	v23 =	vld [tilespmem:s14+$0xFFFFFF40]  }
0x8c: {  	v5 =	vadd.f32 v20, v5;
	v4 =	vadd.f32 v21, v4;
	v24 =	vld [tilespmem:s14+$0xFFFFFF50]  }
0x8d: {  	v1 =	vadd.f32 v26, v1;
	v20 =	vld [tilespmem:s14+$0xFFFFFF60];
	v0 =	vadd.f32 v27, v0  }
0x8e: {  	s13 =	sadd.s32 $0x4, s13;
	v5 =	vadd.f32 v8, v5;
	v4 =	vadd.f32 v9, v4;
	v21 =	vld [tilespmem:s14+$0xFFFFFF70]  }
0x8f: {  	p0 =	slt.u32 s13, $0x3C;
	v1 =	vadd.f32 v10, v1;
	v8 =	vld [tilespmem:s14+$0xFFFFFFE0];
	v0 =	vadd.f32 v19, v0  }
.Ltmp1:
0x90: {  	v5 =	vadd.f32 v18, v5;
	v4 =	vadd.f32 v14, v4;
	v10 =	vld [tilespmem:s14+$0xFFFFFFF0];
	(pc) =	sbr.rel @p0 .LBB2_4-.Ltmp1, $4  }
0x91: {  	v1 =	vadd.f32 v15, v1;
	v9 =	vld [tilespmem:s14+$0x60];
	v0 =	vadd.f32 v12, v0  }
0x92: {  	v16 =	vadd.f32 v23, v16;
	v18 =	vadd.f32 v24, v17;
	v12 =	vld [tilespmem:s14+$0x70]  }
0x93: {  	v15 =	vadd.f32 v20, v11;
	v14 =	vadd.f32 v21, v13;
	v11 =	vld [tilespmem:s14+$0xE0]  }
0x94: {  	v17 =	vadd.f32 v28, v16;
	v16 =	vadd.f32 v22, v18;
	v13 =	vld [tilespmem:s14+$0xF0];
	s14 =	sadd.s32 $0x200, s14  }
0x95: {  	_ = 	snop  }
0x96: {  	v8 =	vadd.f32 v8, v15;
	[tilespmem:$0x4000] =	vst v5;
	v7 =	vadd.f32 v7, v17  }
0x97: {  	v60 =	vadd.f32 v10, v14;
	[tilespmem:$0x4010] =	vst v4;
	v6 =	vadd.f32 v6, v16  }
0x98: {  	[tilespmem:$0x4020] =	vst v1;
	v61 =	vadd.f32 v9, v8;
	v2 =	vadd.f32 v2, v7  }
0x99: {  	[tilespmem:$0x4030] =	vst v0;
	v62 =	vadd.f32 v12, v60;
	v3 =	vadd.f32 v3, v6  }
0x9a: {  	v63 =	vadd.f32 v11, v61;
	[tilespmem:$0x4040] =	vst v2  }
0x9b: {  	s12 =	sadd.s32 $0x1, s12;
	v1 =	vadd.f32 v13, v62;
	[tilespmem:$0x4050] =	vst v3  }
0x9c: {  	p0 =	sne.s32 s12, s6;
	[tilespmem:$0x4060] =	vst v63  }
.Ltmp2:
0x9d: {  	[tilespmem:$0x4070] =	vst v1;
	(pc) =	sbr.rel @p0 .LBB2_1-.Ltmp2, $4  }
0x9e: {  	[hbm4b:s5+s2] =	stream.linear.scatter [tilespmem:s10], [sflag:$0x3], $0x80, $0x38;
	[tilespmem:$0x4080] =	vst v63  }
0x9f: {  	_ =	swait.ge [sflag:s11], $0x80  }
0xa0: {  	[sflag:s11] =	ssyncset.done $0x0  }
0xa1: {  	[sflag:s11] =	ssyncadd.s32 $0xFFFFFF80  }
0xa2: {  	_ =	sfence.sel $0x180000  }
0xa3: {  	[bflag:$0x0] =	sbarrier.arrive $0xFFFF  }
0xa4: {  	p0 =	sne.s32 s1, $0x0;
	_ =	strace $0x90000047  }
0xa5: {  	s0 =	sadd.s32 @!p0 $0x100000, s0;
	[bflag:$0x2] =	sbarrier.arrive $0xFFFF  }
0xa6: {  	[sflag:s0] =	ssyncadd.tile.s32 @!p0 $0x1;
	_ =	shalt  }
.Lfunc_end2:
_tile_overlayer_lowered:
.L_overlay_start_2:
0xa7: {  	(tag) =	ssettag $0x2  }
0xa8: {  	s0 =	rddreg [dreg:$0x0];
	s2 =	stileid.u32  }
0xa9: {  	s1 =	rddreg [dreg:$0x1];
	p0 =	sne.s32 s2, $0x0  }
0xaa: {  	s3 =	rddreg [dreg:$0x2];
	[bflag:$0x3] =	sbarrier.arrive $0xFFFF;
	s2 =	simm.s32 @!p0 $0x1C03  }
0xab: {  	[timem:s3], [sflag:s2] =	dma.local @!p0 [hbm:s0], s1  }
0xac: {  	s0 =	simm.s32 @!p0 $0x3  }
0xad: {  	_ =	swait.ge @!p0 [sflag:s0], s1  }
0xae: {  	s1 =	ssub.s32 @!p0 $0x0, s1;
	[sflag:s0] =	ssyncset.done @!p0 $0x0  }
0xaf: {  	[sflag:s0] =	ssyncadd.s32 @!p0 s1  }
0xb0: {  	[bflag:$0x3] =	sbarrier.arrive $0xFFFF  }
0xb1: {  	_ =	shalt  }

</sc_bundles>
